<compile_context>
chip_gen: v7x
topology: tpu7x:2x2x1
jax: 0.10.2.dev20260603
libtpu: 0.0.44.dev20260713+nightly
codegen_flags: <defaults>
</compile_context>

<pallas_src>
import functools

import jax
import jax.numpy as jnp
from jax import lax
from jax.experimental import pallas as pl
from jax.experimental.pallas import tpu as pltpu
from jax.experimental.pallas import tpu_sc as plsc

N, E, D = 10000, 320000, 128
NC, NS = 2, 16
NW = NC * NS
CH = 128
M = 2 * E
NCHUNK = (-(-M // (NW * CH)) + 3) // 4 * 4
M_PAD = NW * CH * NCHUNK
NCH_TOT = M_PAD // CH
R_ACC = 10240
ZROWS = R_ACC // NS

BLK = 1000


def _dense1_body(x_ref, win_ref, wout_ref, bin_ref, bout_ref,
                 wg_ref, bg_ref, gated_ref):
    xb = x_ref[...]
    wg = wg_ref[...]
    bg = bg_ref[...]

    def gate(k):
        s = jnp.sum(xb * wg[k:k + 1, :], axis=1, keepdims=True) + bg[:, k:k + 1]
        return 1.0 / (1.0 + jnp.exp(-s))

    it = jnp.dot(xb, win_ref[...], preferred_element_type=jnp.float32) + bin_ref[...]
    gated_ref[0] = it * gate(0)
    ot = jnp.dot(xb, wout_ref[...], preferred_element_type=jnp.float32) + bout_ref[...]
    gated_ref[1] = ot * gate(1)


def _combine_body(p_ref, x_ref, wloop_ref, wgl_ref, out_ref):
    xb = x_ref[...]
    lt = jnp.dot(xb, wloop_ref[...], preferred_element_type=jnp.float32)
    s = jnp.sum(xb * wgl_ref[...], axis=1, keepdims=True)
    gl = 1.0 / (1.0 + jnp.exp(-s))
    out_ref[...] = jnp.maximum(p_ref[0] + p_ref[1] + lt * gl, 0.0)


def _sc_scatter_body(table_hbm, gidx_hbm, sidx_hbm, out_hbm,
                     gi0, si0, gi1, si1, gi2, si2, gi3, si3, rows0, rows1, acc,
                     gsem0, gsem1, ssem0, ssem1, isem0, isem1, isem2, isem3):
    cid = lax.axis_index("c")
    sid = lax.axis_index("s")
    wid = cid * NS + sid
    gi = (gi0, gi1, gi2, gi3)
    si = (si0, si1, si2, si3)
    isem = (isem0, isem1, isem2, isem3)
    rows = (rows0, rows1)
    gsem = (gsem0, gsem1)
    ssem = (ssem0, ssem1)

    zero16 = jnp.zeros((16,), jnp.float32)

    def zloop(i, _):
        r = i // 8
        c = (i % 8) * 16
        rows0[r, pl.ds(c, 16)] = zero16
        return 0

    lax.fori_loop(0, CH * 8, zloop, 0)
    for k in range(ZROWS // CH):
        pltpu.sync_copy(rows0, acc.at[pl.ds(sid * ZROWS + k * CH, CH)])
    plsc.subcore_barrier()

    base = wid * NCHUNK

    def idx_issue(c, m):
        pltpu.async_copy(gidx_hbm.at[base + c], gi[m], isem[m])
        pltpu.async_copy(sidx_hbm.at[base + c], si[m], isem[m])

    def idx_wait(m):
        pltpu.make_async_copy(gidx_hbm.at[0], gi[m], isem[m]).wait()
        pltpu.make_async_copy(sidx_hbm.at[0], si[m], isem[m]).wait()

    def gather(m, p):
        pltpu.async_copy(table_hbm.at[gi[m]], rows[p], gsem0)

    def gwait(p):
        pltpu.make_async_copy(table_hbm.at[gi[0]], rows[p], gsem0).wait()

    def scatter(m, p):
        pltpu.async_copy(rows[p], acc.at[si[m]], ssem0, add=True)

    def swait(p):
        pltpu.make_async_copy(rows[0], acc.at[si[0]], ssem0).wait()

    def pair_body(j, pi, prefetch=True):
        m0, m1 = 2 * pi, 2 * pi + 1
        idx_wait(m0)
        idx_wait(m1)
        gather(m0, 0)
        gather(m1, 1)
        gwait(0)
        gwait(1)
        scatter(m0, 0)
        scatter(m1, 1)
        swait(0)
        swait(1)
        if prefetch:
            idx_issue(2 * j + 4, m0)
            idx_issue(2 * j + 5, m1)

    idx_issue(0, 0)
    idx_issue(1, 1)
    idx_issue(2, 2)
    idx_issue(3, 3)

    def quad(k, _):
        pair_body(2 * k, 0)
        pair_body(2 * k + 1, 1)
        return 0

    npair = NCHUNK // 2
    lax.fori_loop(0, npair // 2 - 1, quad, 0)
    pair_body(npair - 2, 0, prefetch=False)
    pair_body(npair - 1, 1, prefetch=False)
    plsc.subcore_barrier()

    pltpu.sync_copy(acc.at[pl.ds(sid * ZROWS, ZROWS)],
                    out_hbm.at[cid, pl.ds(sid * ZROWS, ZROWS)])


@jax.jit
def _run(x, edge_index, w_in, b_in, w_out, b_out, w_loop, w_gin, b_gin,
         w_gout, b_gout, w_gloop):
    src = edge_index[0].astype(jnp.int32)
    dst = edge_index[1].astype(jnp.int32)
    pad = M_PAD - M
    gidx = jnp.concatenate([src, dst + N, jnp.zeros((pad,), jnp.int32)])
    sidx = jnp.concatenate(
        [dst, src, N + (jnp.arange(pad, dtype=jnp.int32) % (R_ACC - N))])
    gidx = gidx.reshape(NCH_TOT, CH)
    sidx = sidx.reshape(NCH_TOT, CH)

    wg = jnp.concatenate([w_gin.T, w_gout.T], axis=0)
    bg = jnp.stack([b_gin[0], b_gout[0]]).reshape(1, 2)

    gated = pl.pallas_call(
        _dense1_body,
        grid=(N // BLK,),
        in_specs=[
            pl.BlockSpec((BLK, D), lambda i: (i, 0)),
            pl.BlockSpec((D, D), lambda i: (0, 0)),
            pl.BlockSpec((D, D), lambda i: (0, 0)),
            pl.BlockSpec((1, D), lambda i: (0, 0)),
            pl.BlockSpec((1, D), lambda i: (0, 0)),
            pl.BlockSpec((2, D), lambda i: (0, 0)),
            pl.BlockSpec((1, 2), lambda i: (0, 0)),
        ],
        out_specs=pl.BlockSpec((2, BLK, D), lambda i: (0, i, 0)),
        out_shape=jax.ShapeDtypeStruct((2, N, D), jnp.float32),
    )(x, w_in, w_out, b_in.reshape(1, D), b_out.reshape(1, D), wg, bg)

    table = gated.reshape(2 * N, D)

    mesh = plsc.VectorSubcoreMesh(core_axis_name="c", subcore_axis_name="s")
    partials = pl.kernel(
        _sc_scatter_body,
        out_type=jax.ShapeDtypeStruct((NC, R_ACC, D), jnp.float32),
        mesh=mesh,
        scratch_types=(
            [pltpu.VMEM((CH,), jnp.int32)] * 8
            + [pltpu.VMEM((CH, D), jnp.float32)] * 2
            + [pltpu.VMEM_SHARED((R_ACC, D), jnp.float32)]
            + [pltpu.SemaphoreType.DMA] * 8
        ),
    )(table, gidx, sidx)

    out = pl.pallas_call(
        _combine_body,
        grid=(N // BLK,),
        in_specs=[
            pl.BlockSpec((2, BLK, D), lambda i: (0, i, 0)),
            pl.BlockSpec((BLK, D), lambda i: (i, 0)),
            pl.BlockSpec((D, D), lambda i: (0, 0)),
            pl.BlockSpec((1, D), lambda i: (0, 0)),
        ],
        out_specs=pl.BlockSpec((BLK, D), lambda i: (i, 0)),
        out_shape=jax.ShapeDtypeStruct((N, D), jnp.float32),
    )(partials, x, w_loop, w_gloop.T)
    return out


def kernel(x, edge_index, w_in, b_in, w_out, b_out, w_loop, w_gin, b_gin,
           w_gout, b_gout, w_gloop):
    return _run(x, edge_index, w_in, b_in, w_out, b_out, w_loop, w_gin, b_gin,
                w_gout, b_gout, w_gloop)

# --- scband reference (transcript-rebuilt; emitter-appended) ---
"""Pipeline reference for scband-ddi-76751065579531 (READ-ONLY COPY).

The authoritative reference and input builder live on the scoring server;
editing this copy changes nothing except your own understanding.
"""

import jax, jax.numpy as jnp
import numpy as np

N, E, D = 10000, 320000, 128

def setup_inputs(seed: int = 0) -> dict:
    key = jax.random.key(seed)
    ks = jax.random.split(key, 12)
    s = 1.0 / np.sqrt(D)
    x = jax.random.normal(ks[0], (N, D), dtype=jnp.float32)
    edge_index = jax.random.randint(ks[1], (2, E), 0, N).astype(jnp.int64)
    w_in = (jax.random.normal(ks[2], (D, D), dtype=jnp.float32) * s)
    b_in = jnp.zeros((D,), dtype=jnp.float32)
    w_out = (jax.random.normal(ks[3], (D, D), dtype=jnp.float32) * s)
    b_out = jnp.zeros((D,), dtype=jnp.float32)
    w_loop = (jax.random.normal(ks[4], (D, D), dtype=jnp.float32) * s)
    w_gin = (jax.random.normal(ks[5], (D, 1), dtype=jnp.float32) * s)
    b_gin = jnp.zeros((1,), dtype=jnp.float32)
    w_gout = (jax.random.normal(ks[6], (D, 1), dtype=jnp.float32) * s)
    b_gout = jnp.zeros((1,), dtype=jnp.float32)
    w_gloop = (jax.random.normal(ks[7], (D, 1), dtype=jnp.float32) * s)
    return {
        'x': x, 'edge_index': edge_index,
        'w_in': w_in, 'b_in': b_in, 'w_out': w_out, 'b_out': b_out,
        'w_loop': w_loop, 'w_gin': w_gin, 'b_gin': b_gin,
        'w_gout': w_gout, 'b_gout': b_gout, 'w_gloop': w_gloop,
    }

def reference(x, edge_index, w_in, b_in, w_out, b_out, w_loop, w_gin, b_gin, w_gout, b_gout, w_gloop):
    # Faithful JAX translation of DDI.GCNLayer (RESIDE-style gated GCN),
    # single label, single layer, w_gating=True, edge-list form.
    src = edge_index[0]
    dst = edge_index[1]
    # in-arcs: messages flow src -> dst
    in_t = x @ w_in + b_in                              # [N, D]
    in_gate = jax.nn.sigmoid(x @ w_gin + b_gin)         # [N, 1]
    in_gated = in_t * in_gate                           # [N, D]
    msg_in = jnp.take(in_gated, src, axis=0)            # [E, D] gather
    in_act = jnp.zeros((x.shape[0], in_t.shape[1]), dtype=x.dtype).at[dst].add(msg_in)  # scatter-add
    # out-arcs: messages flow dst -> src (transposed adjacency)
    out_t = x @ w_out + b_out
    out_gate = jax.nn.sigmoid(x @ w_gout + b_gout)
    out_gated = out_t * out_gate
    msg_out = jnp.take(out_gated, dst, axis=0)
    out_act = jnp.zeros((x.shape[0], out_t.shape[1]), dtype=x.dtype).at[src].add(msg_out)
    # self-loop
    loop_t = x @ w_loop
    loop_gate = jax.nn.sigmoid(x @ w_gloop)
    loop_act = loop_t * loop_gate
    act_sum = in_act + out_act + loop_act
    return jax.nn.relu(act_sum)

if __name__ == "__main__":
    import jax
    _d = setup_inputs()
    print(jax.jit(kernel)(*tuple(_d.values())))

</pallas_src>

<mosaic_0001>
#map = affine_map<(d0, d1) -> (0, 0)>
#map1 = affine_map<(d0, d1) -> (0, 0, 0)>
module attributes {stable_mosaic.version = 14 : i64} {
  func.func @_sc_scatter_body(%arg0: i32, %arg1: i32, %arg2: memref<20000x128xf32, #tpu.memory_space<hbm>>, %arg3: memref<5120x128xi32, #tpu.memory_space<hbm>>, %arg4: memref<5120x128xi32, #tpu.memory_space<hbm>>, %arg5: memref<2x10240x128xf32, #tpu.memory_space<hbm>>, %arg6: memref<128xi32, #tpu.memory_space<vmem>>, %arg7: memref<128xi32, #tpu.memory_space<vmem>>, %arg8: memref<128xi32, #tpu.memory_space<vmem>>, %arg9: memref<128xi32, #tpu.memory_space<vmem>>, %arg10: memref<128xi32, #tpu.memory_space<vmem>>, %arg11: memref<128xi32, #tpu.memory_space<vmem>>, %arg12: memref<128xi32, #tpu.memory_space<vmem>>, %arg13: memref<128xi32, #tpu.memory_space<vmem>>, %arg14: memref<128x128xf32, #tpu.memory_space<vmem>>, %arg15: memref<128x128xf32, #tpu.memory_space<vmem>>, %arg16: memref<10240x128xf32, #tpu.memory_space<vmem_shared>>, %arg17: memref<!tpu.dma_semaphore, #tpu.memory_space<semaphore_mem>>, %arg18: memref<!tpu.dma_semaphore, #tpu.memory_space<semaphore_mem>>, %arg19: memref<!tpu.dma_semaphore, #tpu.memory_space<semaphore_mem>>, %arg20: memref<!tpu.dma_semaphore, #tpu.memory_space<semaphore_mem>>, %arg21: memref<!tpu.dma_semaphore, #tpu.memory_space<semaphore_mem>>, %arg22: memref<!tpu.dma_semaphore, #tpu.memory_space<semaphore_mem>>, %arg23: memref<!tpu.dma_semaphore, #tpu.memory_space<semaphore_mem>>, %arg24: memref<!tpu.dma_semaphore, #tpu.memory_space<semaphore_mem>>) attributes {dimension_semantics = [#tpu.dimension_semantics<core_parallel>, #tpu.dimension_semantics<subcore_parallel>], iteration_bounds = array<i64: 2, 16>, scalar_prefetch = 0 : i64, scratch_operands = 19 : i64, tpu.core_type = #tpu.core_type<sc_vector_subcore>, window_params = [{transform_indices = #map}, {transform_indices = #map}, {transform_indices = #map}, {transform_indices = #map1}]} {
    %mul3A = arith.constant 16 : i32
    %mul3A_0 = arith.muli %arg0, %mul3A : i32
    %add3A = arith.addi %mul3A_0, %arg1 : i32
    %broadcast_in_dim3A = arith.constant 0.000000e+00 : f32
    %broadcast_in_dim3A_1 = vector.broadcast %broadcast_in_dim3A : f32 to vector<16xf32>
    %scan3A = arith.constant 0 : i32
    %scan3A_2 = arith.constant 0 : i32
    %scan3A_3 = arith.constant 1024 : i32
    %scan3A_4 = arith.addi %scan3A_2, %scan3A_3 : i32
    %scan3A_5 = arith.constant 1 : i32
    %scan3A_6 = scf.for %scan3A_208 = %scan3A_2 to %scan3A_4 step %scan3A_5 iter_args(%scan3A_209 = %scan3A) -> (i32)  : i32 {
      %jit3A = arith.constant 8 : i32
      %div3A = arith.divsi %scan3A_208, %jit3A : i32
      %sign3A = arith.constant 0 : i32
      %sign3A_210 = arith.cmpi sgt, %scan3A_208, %sign3A : i32
      %sign3A_211 = arith.extui %sign3A_210 : i1 to i32
      %sign3A_212 = arith.constant 0 : i32
      %sign3A_213 = arith.cmpi slt, %scan3A_208, %sign3A_212 : i32
      %sign3A_214 = arith.extui %sign3A_213 : i1 to i32
      %sign3A_215 = arith.subi %sign3A_211, %sign3A_214 : i32
      %sign3A_216 = arith.constant 0 : i32
      %sign3A_217 = arith.cmpi sgt, %jit3A, %sign3A_216 : i32
      %sign3A_218 = arith.extui %sign3A_217 : i1 to i32
      %sign3A_219 = arith.constant 0 : i32
      %sign3A_220 = arith.cmpi slt, %jit3A, %sign3A_219 : i32
      %sign3A_221 = arith.extui %sign3A_220 : i1 to i32
      %sign3A_222 = arith.subi %sign3A_218, %sign3A_221 : i32
      %ne3A = arith.cmpi ne, %sign3A_215, %sign3A_222 : i32
      %rem3A = arith.remsi %scan3A_208, %jit3A : i32
      %ne3A_223 = arith.constant 0 : i32
      %ne3A_224 = arith.cmpi ne, %rem3A, %ne3A_223 : i32
      %and3A = arith.andi %ne3A, %ne3A_224 : i1
      %sub3A = arith.constant 1 : i32
      %sub3A_225 = arith.subi %div3A, %sub3A : i32
      %select_n3A = arith.select %and3A, %sub3A_225, %div3A : i32
      %jit3A_226 = arith.constant 8 : i32
      %eq3A = arith.constant 0 : i32
      %eq3A_227 = arith.cmpi eq, %jit3A_226, %eq3A : i32
      %jit3A_228 = arith.constant 1 : i32
      %select_n3A_229 = arith.select %eq3A_227, %jit3A_228, %jit3A_226 : i32
      %rem3A_230 = arith.remsi %scan3A_208, %select_n3A_229 : i32
      %ne3A_231 = arith.constant 0 : i32
      %ne3A_232 = arith.cmpi ne, %rem3A_230, %ne3A_231 : i32
      %lt3A = arith.constant 0 : i32
      %lt3A_233 = arith.cmpi slt, %rem3A_230, %lt3A : i32
      %lt3A_234 = arith.constant 0 : i32
      %lt3A_235 = arith.cmpi slt, %select_n3A_229, %lt3A_234 : i32
      %ne3A_236 = arith.xori %lt3A_233, %lt3A_235 : i1
      %and3A_237 = arith.andi %ne3A_236, %ne3A_232 : i1
      %add3A_238 = arith.addi %rem3A_230, %select_n3A_229 : i32
      %select_n3A_239 = arith.select %and3A_237, %add3A_238, %rem3A_230 : i32
      %mul3A_240 = arith.constant 16 : i32
      %mul3A_241 = arith.muli %select_n3A_239, %mul3A_240 : i32
      %swap3A = arith.index_cast %select_n3A : i32 to index
      %swap3A_242 = arith.index_cast %mul3A_241 : i32 to index
      %swap3A_243 = tpu.vector_load %arg14[%swap3A, %swap3A_242] {strides = array<i32>} : memref<128x128xf32, #tpu.memory_space<vmem>>, vector<1x16xf32>,
      %swap3A_244 = vector.shape_cast %swap3A_243 : vector<1x16xf32> to vector<16xf32>
      %swap3A_245 = vector.shape_cast %broadcast_in_dim3A_1 : vector<16xf32> to vector<1x16xf32>
      tpu.vector_store %arg14[%swap3A, %swap3A_242], %swap3A_245 {strides = array<i32>} : memref<128x128xf32, #tpu.memory_space<vmem>>, vector<1x16xf32>,
      %scan3A_246 = arith.constant 0 : i32
      scf.yield %scan3A_246 : i32
    }
    %scan3A_7 = arith.constant 1024 : i32
    %mul3A_8 = arith.constant 640 : i32
    %mul3A_9 = arith.muli %arg1, %mul3A_8 : i32
    %add3A_10 = arith.constant 0 : i32
    %add3A_11 = arith.addi %mul3A_9, %add3A_10 : i32
    "tpu.region"() ({
      %run_scoped3A = tpu.sem_alloc : memref<!tpu.dma_semaphore, #tpu.memory_space<semaphore_mem>>
      %dma_start3A_208 = arith.constant 0 : i32
      %dma_start3A_209 = tpu.memref_slice %arg16[%add3A_11, %dma_start3A_208] : memref<10240x128xf32, #tpu.memory_space<vmem_shared>> -> memref<128x128xf32, #tpu.memory_space<vmem_shared>>
      %dma_start3A_210 = arith.constant 0 : i32
      %dma_start3A_211 = tpu.memref_slice %arg16[%add3A_11, %dma_start3A_210] : memref<10240x128xf32, #tpu.memory_space<vmem_shared>> -> memref<128x128xf32, #tpu.memory_space<vmem_shared>>
      tpu.enqueue_dma source(%arg14 : memref<128x128xf32, #tpu.memory_space<vmem>>) target(%dma_start3A_211 : memref<128x128xf32, #tpu.memory_space<vmem_shared>>) target_semaphore(%run_scoped3A : memref<!tpu.dma_semaphore, #tpu.memory_space<semaphore_mem>>)
      %dma_wait3A_212 = arith.constant 0 : i32
      %dma_wait3A_213 = tpu.memref_slice %arg16[%add3A_11, %dma_wait3A_212] : memref<10240x128xf32, #tpu.memory_space<vmem_shared>> -> memref<128x128xf32, #tpu.memory_space<vmem_shared>>
      %dma_wait3A_214 = arith.constant 0 : i32
      %dma_wait3A_215 = tpu.memref_slice %arg16[%add3A_11, %dma_wait3A_214] : memref<10240x128xf32, #tpu.memory_space<vmem_shared>> -> memref<128x128xf32, #tpu.memory_space<vmem_shared>>
      tpu.wait_dma2 semaphore(%run_scoped3A : memref<!tpu.dma_semaphore, #tpu.memory_space<semaphore_mem>>) src(%arg14 : memref<128x128xf32, #tpu.memory_space<vmem>>) dst(%dma_wait3A_215 : memref<128x128xf32, #tpu.memory_space<vmem_shared>>)
      tpu.yield
    }) : () -> ()
    %mul3A_12 = arith.constant 640 : i32
    %mul3A_13 = arith.muli %arg1, %mul3A_12 : i32
    %add3A_14 = arith.constant 128 : i32
    %add3A_15 = arith.addi %mul3A_13, %add3A_14 : i32
    "tpu.region"() ({
      %run_scoped3A = tpu.sem_alloc : memref<!tpu.dma_semaphore, #tpu.memory_space<semaphore_mem>>
      %dma_start3A_208 = arith.constant 0 : i32
      %dma_start3A_209 = tpu.memref_slice %arg16[%add3A_15, %dma_start3A_208] : memref<10240x128xf32, #tpu.memory_space<vmem_shared>> -> memref<128x128xf32, #tpu.memory_space<vmem_shared>>
      %dma_start3A_210 = arith.constant 0 : i32
      %dma_start3A_211 = tpu.memref_slice %arg16[%add3A_15, %dma_start3A_210] : memref<10240x128xf32, #tpu.memory_space<vmem_shared>> -> memref<128x128xf32, #tpu.memory_space<vmem_shared>>
      tpu.enqueue_dma source(%arg14 : memref<128x128xf32, #tpu.memory_space<vmem>>) target(%dma_start3A_211 : memref<128x128xf32, #tpu.memory_space<vmem_shared>>) target_semaphore(%run_scoped3A : memref<!tpu.dma_semaphore, #tpu.memory_space<semaphore_mem>>)
      %dma_wait3A_212 = arith.constant 0 : i32
      %dma_wait3A_213 = tpu.memref_slice %arg16[%add3A_15, %dma_wait3A_212] : memref<10240x128xf32, #tpu.memory_space<vmem_shared>> -> memref<128x128xf32, #tpu.memory_space<vmem_shared>>
      %dma_wait3A_214 = arith.constant 0 : i32
      %dma_wait3A_215 = tpu.memref_slice %arg16[%add3A_15, %dma_wait3A_214] : memref<10240x128xf32, #tpu.memory_space<vmem_shared>> -> memref<128x128xf32, #tpu.memory_space<vmem_shared>>
      tpu.wait_dma2 semaphore(%run_scoped3A : memref<!tpu.dma_semaphore, #tpu.memory_space<semaphore_mem>>) src(%arg14 : memref<128x128xf32, #tpu.memory_space<vmem>>) dst(%dma_wait3A_215 : memref<128x128xf32, #tpu.memory_space<vmem_shared>>)
      tpu.yield
    }) : () -> ()
    %mul3A_16 = arith.constant 640 : i32
    %mul3A_17 = arith.muli %arg1, %mul3A_16 : i32
    %add3A_18 = arith.constant 256 : i32
    %add3A_19 = arith.addi %mul3A_17, %add3A_18 : i32
    "tpu.region"() ({
      %run_scoped3A = tpu.sem_alloc : memref<!tpu.dma_semaphore, #tpu.memory_space<semaphore_mem>>
      %dma_start3A_208 = arith.constant 0 : i32
      %dma_start3A_209 = tpu.memref_slice %arg16[%add3A_19, %dma_start3A_208] : memref<10240x128xf32, #tpu.memory_space<vmem_shared>> -> memref<128x128xf32, #tpu.memory_space<vmem_shared>>
      %dma_start3A_210 = arith.constant 0 : i32
      %dma_start3A_211 = tpu.memref_slice %arg16[%add3A_19, %dma_start3A_210] : memref<10240x128xf32, #tpu.memory_space<vmem_shared>> -> memref<128x128xf32, #tpu.memory_space<vmem_shared>>
      tpu.enqueue_dma source(%arg14 : memref<128x128xf32, #tpu.memory_space<vmem>>) target(%dma_start3A_211 : memref<128x128xf32, #tpu.memory_space<vmem_shared>>) target_semaphore(%run_scoped3A : memref<!tpu.dma_semaphore, #tpu.memory_space<semaphore_mem>>)
      %dma_wait3A_212 = arith.constant 0 : i32
      %dma_wait3A_213 = tpu.memref_slice %arg16[%add3A_19, %dma_wait3A_212] : memref<10240x128xf32, #tpu.memory_space<vmem_shared>> -> memref<128x128xf32, #tpu.memory_space<vmem_shared>>
      %dma_wait3A_214 = arith.constant 0 : i32
      %dma_wait3A_215 = tpu.memref_slice %arg16[%add3A_19, %dma_wait3A_214] : memref<10240x128xf32, #tpu.memory_space<vmem_shared>> -> memref<128x128xf32, #tpu.memory_space<vmem_shared>>
      tpu.wait_dma2 semaphore(%run_scoped3A : memref<!tpu.dma_semaphore, #tpu.memory_space<semaphore_mem>>) src(%arg14 : memref<128x128xf32, #tpu.memory_space<vmem>>) dst(%dma_wait3A_215 : memref<128x128xf32, #tpu.memory_space<vmem_shared>>)
      tpu.yield
    }) : () -> ()
    %mul3A_20 = arith.constant 640 : i32
    %mul3A_21 = arith.muli %arg1, %mul3A_20 : i32
    %add3A_22 = arith.constant 384 : i32
    %add3A_23 = arith.addi %mul3A_21, %add3A_22 : i32
    "tpu.region"() ({
      %run_scoped3A = tpu.sem_alloc : memref<!tpu.dma_semaphore, #tpu.memory_space<semaphore_mem>>
      %dma_start3A_208 = arith.constant 0 : i32
      %dma_start3A_209 = tpu.memref_slice %arg16[%add3A_23, %dma_start3A_208] : memref<10240x128xf32, #tpu.memory_space<vmem_shared>> -> memref<128x128xf32, #tpu.memory_space<vmem_shared>>
      %dma_start3A_210 = arith.constant 0 : i32
      %dma_start3A_211 = tpu.memref_slice %arg16[%add3A_23, %dma_start3A_210] : memref<10240x128xf32, #tpu.memory_space<vmem_shared>> -> memref<128x128xf32, #tpu.memory_space<vmem_shared>>
      tpu.enqueue_dma source(%arg14 : memref<128x128xf32, #tpu.memory_space<vmem>>) target(%dma_start3A_211 : memref<128x128xf32, #tpu.memory_space<vmem_shared>>) target_semaphore(%run_scoped3A : memref<!tpu.dma_semaphore, #tpu.memory_space<semaphore_mem>>)
      %dma_wait3A_212 = arith.constant 0 : i32
      %dma_wait3A_213 = tpu.memref_slice %arg16[%add3A_23, %dma_wait3A_212] : memref<10240x128xf32, #tpu.memory_space<vmem_shared>> -> memref<128x128xf32, #tpu.memory_space<vmem_shared>>
      %dma_wait3A_214 = arith.constant 0 : i32
      %dma_wait3A_215 = tpu.memref_slice %arg16[%add3A_23, %dma_wait3A_214] : memref<10240x128xf32, #tpu.memory_space<vmem_shared>> -> memref<128x128xf32, #tpu.memory_space<vmem_shared>>
      tpu.wait_dma2 semaphore(%run_scoped3A : memref<!tpu.dma_semaphore, #tpu.memory_space<semaphore_mem>>) src(%arg14 : memref<128x128xf32, #tpu.memory_space<vmem>>) dst(%dma_wait3A_215 : memref<128x128xf32, #tpu.memory_space<vmem_shared>>)
      tpu.yield
    }) : () -> ()
    %mul3A_24 = arith.constant 640 : i32
    %mul3A_25 = arith.muli %arg1, %mul3A_24 : i32
    %add3A_26 = arith.constant 512 : i32
    %add3A_27 = arith.addi %mul3A_25, %add3A_26 : i32
    "tpu.region"() ({
      %run_scoped3A = tpu.sem_alloc : memref<!tpu.dma_semaphore, #tpu.memory_space<semaphore_mem>>
      %dma_start3A_208 = arith.constant 0 : i32
      %dma_start3A_209 = tpu.memref_slice %arg16[%add3A_27, %dma_start3A_208] : memref<10240x128xf32, #tpu.memory_space<vmem_shared>> -> memref<128x128xf32, #tpu.memory_space<vmem_shared>>
      %dma_start3A_210 = arith.constant 0 : i32
      %dma_start3A_211 = tpu.memref_slice %arg16[%add3A_27, %dma_start3A_210] : memref<10240x128xf32, #tpu.memory_space<vmem_shared>> -> memref<128x128xf32, #tpu.memory_space<vmem_shared>>
      tpu.enqueue_dma source(%arg14 : memref<128x128xf32, #tpu.memory_space<vmem>>) target(%dma_start3A_211 : memref<128x128xf32, #tpu.memory_space<vmem_shared>>) target_semaphore(%run_scoped3A : memref<!tpu.dma_semaphore, #tpu.memory_space<semaphore_mem>>)
      %dma_wait3A_212 = arith.constant 0 : i32
      %dma_wait3A_213 = tpu.memref_slice %arg16[%add3A_27, %dma_wait3A_212] : memref<10240x128xf32, #tpu.memory_space<vmem_shared>> -> memref<128x128xf32, #tpu.memory_space<vmem_shared>>
      %dma_wait3A_214 = arith.constant 0 : i32
      %dma_wait3A_215 = tpu.memref_slice %arg16[%add3A_27, %dma_wait3A_214] : memref<10240x128xf32, #tpu.memory_space<vmem_shared>> -> memref<128x128xf32, #tpu.memory_space<vmem_shared>>
      tpu.wait_dma2 semaphore(%run_scoped3A : memref<!tpu.dma_semaphore, #tpu.memory_space<semaphore_mem>>) src(%arg14 : memref<128x128xf32, #tpu.memory_space<vmem>>) dst(%dma_wait3A_215 : memref<128x128xf32, #tpu.memory_space<vmem_shared>>)
      tpu.yield
    }) : () -> ()
    %barrier3A = arith.constant 0 : index
    tpu.barrier barrier_id(%barrier3A)
    %mul3A_28 = arith.constant 160 : i32
    %mul3A_29 = arith.muli %add3A, %mul3A_28 : i32
    %add3A_30 = arith.constant 0 : i32
    %add3A_31 = arith.addi %mul3A_29, %add3A_30 : i32
    %dma_start3A = arith.constant 0 : i32
    %dma_start3A_32 = tpu.memref_slice %arg3[%add3A_31, %dma_start3A] : memref<5120x128xi32, #tpu.memory_space<hbm>> -> memref<1x128xi32, #tpu.memory_space<hbm>>
    %dma_start3A_33 = tpu.memref_squeeze %dma_start3A_32 : memref<1x128xi32, #tpu.memory_space<hbm>> -> memref<128xi32, #tpu.memory_space<hbm>>
    %dma_start3A_34 = arith.constant 0 : i32
    %dma_start3A_35 = tpu.memref_slice %arg3[%add3A_31, %dma_start3A_34] : memref<5120x128xi32, #tpu.memory_space<hbm>> -> memref<1x128xi32, #tpu.memory_space<hbm>>
    %dma_start3A_36 = tpu.memref_squeeze %dma_start3A_35 : memref<1x128xi32, #tpu.memory_space<hbm>> -> memref<128xi32, #tpu.memory_space<hbm>>
    tpu.enqueue_dma source(%dma_start3A_36 : memref<128xi32, #tpu.memory_space<hbm>>) target(%arg6 : memref<128xi32, #tpu.memory_space<vmem>>) target_semaphore(%arg21 : memref<!tpu.dma_semaphore, #tpu.memory_space<semaphore_mem>>)
    %add3A_37 = arith.constant 0 : i32
    %add3A_38 = arith.addi %mul3A_29, %add3A_37 : i32
    %dma_start3A_39 = arith.constant 0 : i32
    %dma_start3A_40 = tpu.memref_slice %arg4[%add3A_38, %dma_start3A_39] : memref<5120x128xi32, #tpu.memory_space<hbm>> -> memref<1x128xi32, #tpu.memory_space<hbm>>
    %dma_start3A_41 = tpu.memref_squeeze %dma_start3A_40 : memref<1x128xi32, #tpu.memory_space<hbm>> -> memref<128xi32, #tpu.memory_space<hbm>>
    %dma_start3A_42 = arith.constant 0 : i32
    %dma_start3A_43 = tpu.memref_slice %arg4[%add3A_38, %dma_start3A_42] : memref<5120x128xi32, #tpu.memory_space<hbm>> -> memref<1x128xi32, #tpu.memory_space<hbm>>
    %dma_start3A_44 = tpu.memref_squeeze %dma_start3A_43 : memref<1x128xi32, #tpu.memory_space<hbm>> -> memref<128xi32, #tpu.memory_space<hbm>>
    tpu.enqueue_dma source(%dma_start3A_44 : memref<128xi32, #tpu.memory_space<hbm>>) target(%arg7 : memref<128xi32, #tpu.memory_space<vmem>>) target_semaphore(%arg21 : memref<!tpu.dma_semaphore, #tpu.memory_space<semaphore_mem>>)
    %add3A_45 = arith.constant 1 : i32
    %add3A_46 = arith.addi %mul3A_29, %add3A_45 : i32
    %dma_start3A_47 = arith.constant 0 : i32
    %dma_start3A_48 = tpu.memref_slice %arg3[%add3A_46, %dma_start3A_47] : memref<5120x128xi32, #tpu.memory_space<hbm>> -> memref<1x128xi32, #tpu.memory_space<hbm>>
    %dma_start3A_49 = tpu.memref_squeeze %dma_start3A_48 : memref<1x128xi32, #tpu.memory_space<hbm>> -> memref<128xi32, #tpu.memory_space<hbm>>
    %dma_start3A_50 = arith.constant 0 : i32
    %dma_start3A_51 = tpu.memref_slice %arg3[%add3A_46, %dma_start3A_50] : memref<5120x128xi32, #tpu.memory_space<hbm>> -> memref<1x128xi32, #tpu.memory_space<hbm>>
    %dma_start3A_52 = tpu.memref_squeeze %dma_start3A_51 : memref<1x128xi32, #tpu.memory_space<hbm>> -> memref<128xi32, #tpu.memory_space<hbm>>
    tpu.enqueue_dma source(%dma_start3A_52 : memref<128xi32, #tpu.memory_space<hbm>>) target(%arg8 : memref<128xi32, #tpu.memory_space<vmem>>) target_semaphore(%arg22 : memref<!tpu.dma_semaphore, #tpu.memory_space<semaphore_mem>>)
    %add3A_53 = arith.constant 1 : i32
    %add3A_54 = arith.addi %mul3A_29, %add3A_53 : i32
    %dma_start3A_55 = arith.constant 0 : i32
    %dma_start3A_56 = tpu.memref_slice %arg4[%add3A_54, %dma_start3A_55] : memref<5120x128xi32, #tpu.memory_space<hbm>> -> memref<1x128xi32, #tpu.memory_space<hbm>>
    %dma_start3A_57 = tpu.memref_squeeze %dma_start3A_56 : memref<1x128xi32, #tpu.memory_space<hbm>> -> memref<128xi32, #tpu.memory_space<hbm>>
    %dma_start3A_58 = arith.constant 0 : i32
    %dma_start3A_59 = tpu.memref_slice %arg4[%add3A_54, %dma_start3A_58] : memref<5120x128xi32, #tpu.memory_space<hbm>> -> memref<1x128xi32, #tpu.memory_space<hbm>>
    %dma_start3A_60 = tpu.memref_squeeze %dma_start3A_59 : memref<1x128xi32, #tpu.memory_space<hbm>> -> memref<128xi32, #tpu.memory_space<hbm>>
    tpu.enqueue_dma source(%dma_start3A_60 : memref<128xi32, #tpu.memory_space<hbm>>) target(%arg9 : memref<128xi32, #tpu.memory_space<vmem>>) target_semaphore(%arg22 : memref<!tpu.dma_semaphore, #tpu.memory_space<semaphore_mem>>)
    %add3A_61 = arith.constant 2 : i32
    %add3A_62 = arith.addi %mul3A_29, %add3A_61 : i32
    %dma_start3A_63 = arith.constant 0 : i32
    %dma_start3A_64 = tpu.memref_slice %arg3[%add3A_62, %dma_start3A_63] : memref<5120x128xi32, #tpu.memory_space<hbm>> -> memref<1x128xi32, #tpu.memory_space<hbm>>
    %dma_start3A_65 = tpu.memref_squeeze %dma_start3A_64 : memref<1x128xi32, #tpu.memory_space<hbm>> -> memref<128xi32, #tpu.memory_space<hbm>>
    %dma_start3A_66 = arith.constant 0 : i32
    %dma_start3A_67 = tpu.memref_slice %arg3[%add3A_62, %dma_start3A_66] : memref<5120x128xi32, #tpu.memory_space<hbm>> -> memref<1x128xi32, #tpu.memory_space<hbm>>
    %dma_start3A_68 = tpu.memref_squeeze %dma_start3A_67 : memref<1x128xi32, #tpu.memory_space<hbm>> -> memref<128xi32, #tpu.memory_space<hbm>>
    tpu.enqueue_dma source(%dma_start3A_68 : memref<128xi32, #tpu.memory_space<hbm>>) target(%arg10 : memref<128xi32, #tpu.memory_space<vmem>>) target_semaphore(%arg23 : memref<!tpu.dma_semaphore, #tpu.memory_space<semaphore_mem>>)
    %add3A_69 = arith.constant 2 : i32
    %add3A_70 = arith.addi %mul3A_29, %add3A_69 : i32
    %dma_start3A_71 = arith.constant 0 : i32
    %dma_start3A_72 = tpu.memref_slice %arg4[%add3A_70, %dma_start3A_71] : memref<5120x128xi32, #tpu.memory_space<hbm>> -> memref<1x128xi32, #tpu.memory_space<hbm>>
    %dma_start3A_73 = tpu.memref_squeeze %dma_start3A_72 : memref<1x128xi32, #tpu.memory_space<hbm>> -> memref<128xi32, #tpu.memory_space<hbm>>
    %dma_start3A_74 = arith.constant 0 : i32
    %dma_start3A_75 = tpu.memref_slice %arg4[%add3A_70, %dma_start3A_74] : memref<5120x128xi32, #tpu.memory_space<hbm>> -> memref<1x128xi32, #tpu.memory_space<hbm>>
    %dma_start3A_76 = tpu.memref_squeeze %dma_start3A_75 : memref<1x128xi32, #tpu.memory_space<hbm>> -> memref<128xi32, #tpu.memory_space<hbm>>
    tpu.enqueue_dma source(%dma_start3A_76 : memref<128xi32, #tpu.memory_space<hbm>>) target(%arg11 : memref<128xi32, #tpu.memory_space<vmem>>) target_semaphore(%arg23 : memref<!tpu.dma_semaphore, #tpu.memory_space<semaphore_mem>>)
    %add3A_77 = arith.constant 3 : i32
    %add3A_78 = arith.addi %mul3A_29, %add3A_77 : i32
    %dma_start3A_79 = arith.constant 0 : i32
    %dma_start3A_80 = tpu.memref_slice %arg3[%add3A_78, %dma_start3A_79] : memref<5120x128xi32, #tpu.memory_space<hbm>> -> memref<1x128xi32, #tpu.memory_space<hbm>>
    %dma_start3A_81 = tpu.memref_squeeze %dma_start3A_80 : memref<1x128xi32, #tpu.memory_space<hbm>> -> memref<128xi32, #tpu.memory_space<hbm>>
    %dma_start3A_82 = arith.constant 0 : i32
    %dma_start3A_83 = tpu.memref_slice %arg3[%add3A_78, %dma_start3A_82] : memref<5120x128xi32, #tpu.memory_space<hbm>> -> memref<1x128xi32, #tpu.memory_space<hbm>>
    %dma_start3A_84 = tpu.memref_squeeze %dma_start3A_83 : memref<1x128xi32, #tpu.memory_space<hbm>> -> memref<128xi32, #tpu.memory_space<hbm>>
    tpu.enqueue_dma source(%dma_start3A_84 : memref<128xi32, #tpu.memory_space<hbm>>) target(%arg12 : memref<128xi32, #tpu.memory_space<vmem>>) target_semaphore(%arg24 : memref<!tpu.dma_semaphore, #tpu.memory_space<semaphore_mem>>)
    %add3A_85 = arith.constant 3 : i32
    %add3A_86 = arith.addi %mul3A_29, %add3A_85 : i32
    %dma_start3A_87 = arith.constant 0 : i32
    %dma_start3A_88 = tpu.memref_slice %arg4[%add3A_86, %dma_start3A_87] : memref<5120x128xi32, #tpu.memory_space<hbm>> -> memref<1x128xi32, #tpu.memory_space<hbm>>
    %dma_start3A_89 = tpu.memref_squeeze %dma_start3A_88 : memref<1x128xi32, #tpu.memory_space<hbm>> -> memref<128xi32, #tpu.memory_space<hbm>>
    %dma_start3A_90 = arith.constant 0 : i32
    %dma_start3A_91 = tpu.memref_slice %arg4[%add3A_86, %dma_start3A_90] : memref<5120x128xi32, #tpu.memory_space<hbm>> -> memref<1x128xi32, #tpu.memory_space<hbm>>
    %dma_start3A_92 = tpu.memref_squeeze %dma_start3A_91 : memref<1x128xi32, #tpu.memory_space<hbm>> -> memref<128xi32, #tpu.memory_space<hbm>>
    tpu.enqueue_dma source(%dma_start3A_92 : memref<128xi32, #tpu.memory_space<hbm>>) target(%arg13 : memref<128xi32, #tpu.memory_space<vmem>>) target_semaphore(%arg24 : memref<!tpu.dma_semaphore, #tpu.memory_space<semaphore_mem>>)
    %scan3A_93 = arith.constant 0 : i32
    %scan3A_94 = arith.constant 0 : i32
    %scan3A_95 = arith.constant 39 : i32
    %scan3A_96 = arith.addi %scan3A_94, %scan3A_95 : i32
    %scan3A_97 = arith.constant 1 : i32
    %scan3A_98 = scf.for %scan3A_208 = %scan3A_94 to %scan3A_96 step %scan3A_97 iter_args(%scan3A_209 = %scan3A_93) -> (i32)  : i32 {
      %mul3A_210 = arith.constant 2 : i32
      %mul3A_211 = arith.muli %mul3A_210, %scan3A_208 : i32
      %dma_wait3A_212 = arith.constant 0 : i32
      %dma_wait3A_213 = arith.constant 0 : i32
      %dma_wait3A_214 = tpu.memref_slice %arg3[%dma_wait3A_212, %dma_wait3A_213] : memref<5120x128xi32, #tpu.memory_space<hbm>> -> memref<1x128xi32, #tpu.memory_space<hbm>>
      %dma_wait3A_215 = tpu.memref_squeeze %dma_wait3A_214 : memref<1x128xi32, #tpu.memory_space<hbm>> -> memref<128xi32, #tpu.memory_space<hbm>>
      %dma_wait3A_216 = arith.constant 0 : i32
      %dma_wait3A_217 = tpu.memref_slice %arg3[%dma_wait3A_212, %dma_wait3A_216] : memref<5120x128xi32, #tpu.memory_space<hbm>> -> memref<1x128xi32, #tpu.memory_space<hbm>>
      %dma_wait3A_218 = tpu.memref_squeeze %dma_wait3A_217 : memref<1x128xi32, #tpu.memory_space<hbm>> -> memref<128xi32, #tpu.memory_space<hbm>>
      tpu.wait_dma2 semaphore(%arg21 : memref<!tpu.dma_semaphore, #tpu.memory_space<semaphore_mem>>) src(%dma_wait3A_218 : memref<128xi32, #tpu.memory_space<hbm>>) dst(%arg6 : memref<128xi32, #tpu.memory_space<vmem>>)
      %dma_wait3A_219 = arith.constant 0 : i32
      %dma_wait3A_220 = arith.constant 0 : i32
      %dma_wait3A_221 = tpu.memref_slice %arg4[%dma_wait3A_219, %dma_wait3A_220] : memref<5120x128xi32, #tpu.memory_space<hbm>> -> memref<1x128xi32, #tpu.memory_space<hbm>>
      %dma_wait3A_222 = tpu.memref_squeeze %dma_wait3A_221 : memref<1x128xi32, #tpu.memory_space<hbm>> -> memref<128xi32, #tpu.memory_space<hbm>>
      %dma_wait3A_223 = arith.constant 0 : i32
      %dma_wait3A_224 = tpu.memref_slice %arg4[%dma_wait3A_219, %dma_wait3A_223] : memref<5120x128xi32, #tpu.memory_space<hbm>> -> memref<1x128xi32, #tpu.memory_space<hbm>>
      %dma_wait3A_225 = tpu.memref_squeeze %dma_wait3A_224 : memref<1x128xi32, #tpu.memory_space<hbm>> -> memref<128xi32, #tpu.memory_space<hbm>>
      tpu.wait_dma2 semaphore(%arg21 : memref<!tpu.dma_semaphore, #tpu.memory_space<semaphore_mem>>) src(%dma_wait3A_225 : memref<128xi32, #tpu.memory_space<hbm>>) dst(%arg7 : memref<128xi32, #tpu.memory_space<vmem>>)
      %dma_wait3A_226 = arith.constant 0 : i32
      %dma_wait3A_227 = arith.constant 0 : i32
      %dma_wait3A_228 = tpu.memref_slice %arg3[%dma_wait3A_226, %dma_wait3A_227] : memref<5120x128xi32, #tpu.memory_space<hbm>> -> memref<1x128xi32, #tpu.memory_space<hbm>>
      %dma_wait3A_229 = tpu.memref_squeeze %dma_wait3A_228 : memref<1x128xi32, #tpu.memory_space<hbm>> -> memref<128xi32, #tpu.memory_space<hbm>>
      %dma_wait3A_230 = arith.constant 0 : i32
      %dma_wait3A_231 = tpu.memref_slice %arg3[%dma_wait3A_226, %dma_wait3A_230] : memref<5120x128xi32, #tpu.memory_space<hbm>> -> memref<1x128xi32, #tpu.memory_space<hbm>>
      %dma_wait3A_232 = tpu.memref_squeeze %dma_wait3A_231 : memref<1x128xi32, #tpu.memory_space<hbm>> -> memref<128xi32, #tpu.memory_space<hbm>>
      tpu.wait_dma2 semaphore(%arg22 : memref<!tpu.dma_semaphore, #tpu.memory_space<semaphore_mem>>) src(%dma_wait3A_232 : memref<128xi32, #tpu.memory_space<hbm>>) dst(%arg8 : memref<128xi32, #tpu.memory_space<vmem>>)
      %dma_wait3A_233 = arith.constant 0 : i32
      %dma_wait3A_234 = arith.constant 0 : i32
      %dma_wait3A_235 = tpu.memref_slice %arg4[%dma_wait3A_233, %dma_wait3A_234] : memref<5120x128xi32, #tpu.memory_space<hbm>> -> memref<1x128xi32, #tpu.memory_space<hbm>>
      %dma_wait3A_236 = tpu.memref_squeeze %dma_wait3A_235 : memref<1x128xi32, #tpu.memory_space<hbm>> -> memref<128xi32, #tpu.memory_space<hbm>>
      %dma_wait3A_237 = arith.constant 0 : i32
      %dma_wait3A_238 = tpu.memref_slice %arg4[%dma_wait3A_233, %dma_wait3A_237] : memref<5120x128xi32, #tpu.memory_space<hbm>> -> memref<1x128xi32, #tpu.memory_space<hbm>>
      %dma_wait3A_239 = tpu.memref_squeeze %dma_wait3A_238 : memref<1x128xi32, #tpu.memory_space<hbm>> -> memref<128xi32, #tpu.memory_space<hbm>>
      tpu.wait_dma2 semaphore(%arg22 : memref<!tpu.dma_semaphore, #tpu.memory_space<semaphore_mem>>) src(%dma_wait3A_239 : memref<128xi32, #tpu.memory_space<hbm>>) dst(%arg9 : memref<128xi32, #tpu.memory_space<vmem>>)
      %dma_start3A_240 = arith.constant 0 : i32
      %dma_start3A_241 = arith.constant 0 : i32
      %dma_start3A_242 = tpu.memref_slice %arg2[%dma_start3A_240, %dma_start3A_241] : memref<20000x128xf32, #tpu.memory_space<hbm>> -> memref<20000x128xf32, #tpu.memory_space<hbm>>
      tpu.enqueue_indirect_dma source(%dma_start3A_242 : memref<20000x128xf32, #tpu.memory_space<hbm>>) target(%arg14 : memref<128x128xf32, #tpu.memory_space<vmem>>) offsets(%arg6 : memref<128xi32, #tpu.memory_space<vmem>>) semaphore(%arg17 : memref<!tpu.dma_semaphore, #tpu.memory_space<semaphore_mem>>)
      %dma_start3A_243 = arith.constant 0 : i32
      %dma_start3A_244 = arith.constant 0 : i32
      %dma_start3A_245 = tpu.memref_slice %arg2[%dma_start3A_243, %dma_start3A_244] : memref<20000x128xf32, #tpu.memory_space<hbm>> -> memref<20000x128xf32, #tpu.memory_space<hbm>>
      tpu.enqueue_indirect_dma source(%dma_start3A_245 : memref<20000x128xf32, #tpu.memory_space<hbm>>) target(%arg15 : memref<128x128xf32, #tpu.memory_space<vmem>>) offsets(%arg8 : memref<128xi32, #tpu.memory_space<vmem>>) semaphore(%arg17 : memref<!tpu.dma_semaphore, #tpu.memory_space<semaphore_mem>>)
      %dma_wait3A_246 = arith.constant 0 : i32
      %dma_wait3A_247 = arith.constant 0 : i32
      %dma_wait3A_248 = tpu.memref_slice %arg2[%dma_wait3A_246, %dma_wait3A_247] : memref<20000x128xf32, #tpu.memory_space<hbm>> -> memref<20000x128xf32, #tpu.memory_space<hbm>>
      tpu.wait_indirect_dma semaphore(%arg17 : memref<!tpu.dma_semaphore, #tpu.memory_space<semaphore_mem>>) src(%dma_wait3A_248 : memref<20000x128xf32, #tpu.memory_space<hbm>>) dst(%arg14 : memref<128x128xf32, #tpu.memory_space<vmem>>)
      %dma_wait3A_249 = arith.constant 0 : i32
      %dma_wait3A_250 = arith.constant 0 : i32
      %dma_wait3A_251 = tpu.memref_slice %arg2[%dma_wait3A_249, %dma_wait3A_250] : memref<20000x128xf32, #tpu.memory_space<hbm>> -> memref<20000x128xf32, #tpu.memory_space<hbm>>
      tpu.wait_indirect_dma semaphore(%arg17 : memref<!tpu.dma_semaphore, #tpu.memory_space<semaphore_mem>>) src(%dma_wait3A_251 : memref<20000x128xf32, #tpu.memory_space<hbm>>) dst(%arg15 : memref<128x128xf32, #tpu.memory_space<vmem>>)
      %dma_start3A_252 = arith.constant 0 : i32
      %dma_start3A_253 = arith.constant 0 : i32
      %dma_start3A_254 = tpu.memref_slice %arg16[%dma_start3A_252, %dma_start3A_253] : memref<10240x128xf32, #tpu.memory_space<vmem_shared>> -> memref<10240x128xf32, #tpu.memory_space<vmem_shared>>
      tpu.enqueue_indirect_dma source(%arg14 : memref<128x128xf32, #tpu.memory_space<vmem>>) target(%dma_start3A_254 : memref<10240x128xf32, #tpu.memory_space<vmem_shared>>) offsets(%arg7 : memref<128xi32, #tpu.memory_space<vmem>>) semaphore(%arg19 : memref<!tpu.dma_semaphore, #tpu.memory_space<semaphore_mem>>) {add = true}
      %dma_start3A_255 = arith.constant 0 : i32
      %dma_start3A_256 = arith.constant 0 : i32
      %dma_start3A_257 = tpu.memref_slice %arg16[%dma_start3A_255, %dma_start3A_256] : memref<10240x128xf32, #tpu.memory_space<vmem_shared>> -> memref<10240x128xf32, #tpu.memory_space<vmem_shared>>
      tpu.enqueue_indirect_dma source(%arg15 : memref<128x128xf32, #tpu.memory_space<vmem>>) target(%dma_start3A_257 : memref<10240x128xf32, #tpu.memory_space<vmem_shared>>) offsets(%arg9 : memref<128xi32, #tpu.memory_space<vmem>>) semaphore(%arg19 : memref<!tpu.dma_semaphore, #tpu.memory_space<semaphore_mem>>) {add = true}
      %dma_wait3A_258 = arith.constant 0 : i32
      %dma_wait3A_259 = arith.constant 0 : i32
      %dma_wait3A_260 = tpu.memref_slice %arg16[%dma_wait3A_258, %dma_wait3A_259] : memref<10240x128xf32, #tpu.memory_space<vmem_shared>> -> memref<10240x128xf32, #tpu.memory_space<vmem_shared>>
      tpu.wait_indirect_dma semaphore(%arg19 : memref<!tpu.dma_semaphore, #tpu.memory_space<semaphore_mem>>) src(%arg14 : memref<128x128xf32, #tpu.memory_space<vmem>>) dst(%dma_wait3A_260 : memref<10240x128xf32, #tpu.memory_space<vmem_shared>>)
      %dma_wait3A_261 = arith.constant 0 : i32
      %dma_wait3A_262 = arith.constant 0 : i32
      %dma_wait3A_263 = tpu.memref_slice %arg16[%dma_wait3A_261, %dma_wait3A_262] : memref<10240x128xf32, #tpu.memory_space<vmem_shared>> -> memref<10240x128xf32, #tpu.memory_space<vmem_shared>>
      tpu.wait_indirect_dma semaphore(%arg19 : memref<!tpu.dma_semaphore, #tpu.memory_space<semaphore_mem>>) src(%arg14 : memref<128x128xf32, #tpu.memory_space<vmem>>) dst(%dma_wait3A_263 : memref<10240x128xf32, #tpu.memory_space<vmem_shared>>)
      %mul3A_264 = arith.constant 2 : i32
      %mul3A_265 = arith.muli %mul3A_264, %mul3A_211 : i32
      %add3A_266 = arith.constant 4 : i32
      %add3A_267 = arith.addi %mul3A_265, %add3A_266 : i32
      %add3A_268 = arith.addi %mul3A_29, %add3A_267 : i32
      %dma_start3A_269 = arith.constant 0 : i32
      %dma_start3A_270 = tpu.memref_slice %arg3[%add3A_268, %dma_start3A_269] : memref<5120x128xi32, #tpu.memory_space<hbm>> -> memref<1x128xi32, #tpu.memory_space<hbm>>
      %dma_start3A_271 = tpu.memref_squeeze %dma_start3A_270 : memref<1x128xi32, #tpu.memory_space<hbm>> -> memref<128xi32, #tpu.memory_space<hbm>>
      %dma_start3A_272 = arith.constant 0 : i32
      %dma_start3A_273 = tpu.memref_slice %arg3[%add3A_268, %dma_start3A_272] : memref<5120x128xi32, #tpu.memory_space<hbm>> -> memref<1x128xi32, #tpu.memory_space<hbm>>
      %dma_start3A_274 = tpu.memref_squeeze %dma_start3A_273 : memref<1x128xi32, #tpu.memory_space<hbm>> -> memref<128xi32, #tpu.memory_space<hbm>>
      tpu.enqueue_dma source(%dma_start3A_274 : memref<128xi32, #tpu.memory_space<hbm>>) target(%arg6 : memref<128xi32, #tpu.memory_space<vmem>>) target_semaphore(%arg21 : memref<!tpu.dma_semaphore, #tpu.memory_space<semaphore_mem>>)
      %add3A_275 = arith.addi %mul3A_29, %add3A_267 : i32
      %dma_start3A_276 = arith.constant 0 : i32
      %dma_start3A_277 = tpu.memref_slice %arg4[%add3A_275, %dma_start3A_276] : memref<5120x128xi32, #tpu.memory_space<hbm>> -> memref<1x128xi32, #tpu.memory_space<hbm>>
      %dma_start3A_278 = tpu.memref_squeeze %dma_start3A_277 : memref<1x128xi32, #tpu.memory_space<hbm>> -> memref<128xi32, #tpu.memory_space<hbm>>
      %dma_start3A_279 = arith.constant 0 : i32
      %dma_start3A_280 = tpu.memref_slice %arg4[%add3A_275, %dma_start3A_279] : memref<5120x128xi32, #tpu.memory_space<hbm>> -> memref<1x128xi32, #tpu.memory_space<hbm>>
      %dma_start3A_281 = tpu.memref_squeeze %dma_start3A_280 : memref<1x128xi32, #tpu.memory_space<hbm>> -> memref<128xi32, #tpu.memory_space<hbm>>
      tpu.enqueue_dma source(%dma_start3A_281 : memref<128xi32, #tpu.memory_space<hbm>>) target(%arg7 : memref<128xi32, #tpu.memory_space<vmem>>) target_semaphore(%arg21 : memref<!tpu.dma_semaphore, #tpu.memory_space<semaphore_mem>>)
      %mul3A_282 = arith.constant 2 : i32
      %mul3A_283 = arith.muli %mul3A_282, %mul3A_211 : i32
      %add3A_284 = arith.constant 5 : i32
      %add3A_285 = arith.addi %mul3A_283, %add3A_284 : i32
      %add3A_286 = arith.addi %mul3A_29, %add3A_285 : i32
      %dma_start3A_287 = arith.constant 0 : i32
      %dma_start3A_288 = tpu.memref_slice %arg3[%add3A_286, %dma_start3A_287] : memref<5120x128xi32, #tpu.memory_space<hbm>> -> memref<1x128xi32, #tpu.memory_space<hbm>>
      %dma_start3A_289 = tpu.memref_squeeze %dma_start3A_288 : memref<1x128xi32, #tpu.memory_space<hbm>> -> memref<128xi32, #tpu.memory_space<hbm>>
      %dma_start3A_290 = arith.constant 0 : i32
      %dma_start3A_291 = tpu.memref_slice %arg3[%add3A_286, %dma_start3A_290] : memref<5120x128xi32, #tpu.memory_space<hbm>> -> memref<1x128xi32, #tpu.memory_space<hbm>>
      %dma_start3A_292 = tpu.memref_squeeze %dma_start3A_291 : memref<1x128xi32, #tpu.memory_space<hbm>> -> memref<128xi32, #tpu.memory_space<hbm>>
      tpu.enqueue_dma source(%dma_start3A_292 : memref<128xi32, #tpu.memory_space<hbm>>) target(%arg8 : memref<128xi32, #tpu.memory_space<vmem>>) target_semaphore(%arg22 : memref<!tpu.dma_semaphore, #tpu.memory_space<semaphore_mem>>)
      %add3A_293 = arith.addi %mul3A_29, %add3A_285 : i32
      %dma_start3A_294 = arith.constant 0 : i32
      %dma_start3A_295 = tpu.memref_slice %arg4[%add3A_293, %dma_start3A_294] : memref<5120x128xi32, #tpu.memory_space<hbm>> -> memref<1x128xi32, #tpu.memory_space<hbm>>
      %dma_start3A_296 = tpu.memref_squeeze %dma_start3A_295 : memref<1x128xi32, #tpu.memory_space<hbm>> -> memref<128xi32, #tpu.memory_space<hbm>>
      %dma_start3A_297 = arith.constant 0 : i32
      %dma_start3A_298 = tpu.memref_slice %arg4[%add3A_293, %dma_start3A_297] : memref<5120x128xi32, #tpu.memory_space<hbm>> -> memref<1x128xi32, #tpu.memory_space<hbm>>
      %dma_start3A_299 = tpu.memref_squeeze %dma_start3A_298 : memref<1x128xi32, #tpu.memory_space<hbm>> -> memref<128xi32, #tpu.memory_space<hbm>>
      tpu.enqueue_dma source(%dma_start3A_299 : memref<128xi32, #tpu.memory_space<hbm>>) target(%arg9 : memref<128xi32, #tpu.memory_space<vmem>>) target_semaphore(%arg22 : memref<!tpu.dma_semaphore, #tpu.memory_space<semaphore_mem>>)
      %mul3A_300 = arith.constant 2 : i32
      %mul3A_301 = arith.muli %mul3A_300, %scan3A_208 : i32
      %add3A_302 = arith.constant 1 : i32
      %add3A_303 = arith.addi %mul3A_301, %add3A_302 : i32
      %dma_wait3A_304 = arith.constant 0 : i32
      %dma_wait3A_305 = arith.constant 0 : i32
      %dma_wait3A_306 = tpu.memref_slice %arg3[%dma_wait3A_304, %dma_wait3A_305] : memref<5120x128xi32, #tpu.memory_space<hbm>> -> memref<1x128xi32, #tpu.memory_space<hbm>>
      %dma_wait3A_307 = tpu.memref_squeeze %dma_wait3A_306 : memref<1x128xi32, #tpu.memory_space<hbm>> -> memref<128xi32, #tpu.memory_space<hbm>>
      %dma_wait3A_308 = arith.constant 0 : i32
      %dma_wait3A_309 = tpu.memref_slice %arg3[%dma_wait3A_304, %dma_wait3A_308] : memref<5120x128xi32, #tpu.memory_space<hbm>> -> memref<1x128xi32, #tpu.memory_space<hbm>>
      %dma_wait3A_310 = tpu.memref_squeeze %dma_wait3A_309 : memref<1x128xi32, #tpu.memory_space<hbm>> -> memref<128xi32, #tpu.memory_space<hbm>>
      tpu.wait_dma2 semaphore(%arg23 : memref<!tpu.dma_semaphore, #tpu.memory_space<semaphore_mem>>) src(%dma_wait3A_310 : memref<128xi32, #tpu.memory_space<hbm>>) dst(%arg10 : memref<128xi32, #tpu.memory_space<vmem>>)
      %dma_wait3A_311 = arith.constant 0 : i32
      %dma_wait3A_312 = arith.constant 0 : i32
      %dma_wait3A_313 = tpu.memref_slice %arg4[%dma_wait3A_311, %dma_wait3A_312] : memref<5120x128xi32, #tpu.memory_space<hbm>> -> memref<1x128xi32, #tpu.memory_space<hbm>>
      %dma_wait3A_314 = tpu.memref_squeeze %dma_wait3A_313 : memref<1x128xi32, #tpu.memory_space<hbm>> -> memref<128xi32, #tpu.memory_space<hbm>>
      %dma_wait3A_315 = arith.constant 0 : i32
      %dma_wait3A_316 = tpu.memref_slice %arg4[%dma_wait3A_311, %dma_wait3A_315] : memref<5120x128xi32, #tpu.memory_space<hbm>> -> memref<1x128xi32, #tpu.memory_space<hbm>>
      %dma_wait3A_317 = tpu.memref_squeeze %dma_wait3A_316 : memref<1x128xi32, #tpu.memory_space<hbm>> -> memref<128xi32, #tpu.memory_space<hbm>>
      tpu.wait_dma2 semaphore(%arg23 : memref<!tpu.dma_semaphore, #tpu.memory_space<semaphore_mem>>) src(%dma_wait3A_317 : memref<128xi32, #tpu.memory_space<hbm>>) dst(%arg11 : memref<128xi32, #tpu.memory_space<vmem>>)
      %dma_wait3A_318 = arith.constant 0 : i32
      %dma_wait3A_319 = arith.constant 0 : i32
      %dma_wait3A_320 = tpu.memref_slice %arg3[%dma_wait3A_318, %dma_wait3A_319] : memref<5120x128xi32, #tpu.memory_space<hbm>> -> memref<1x128xi32, #tpu.memory_space<hbm>>
      %dma_wait3A_321 = tpu.memref_squeeze %dma_wait3A_320 : memref<1x128xi32, #tpu.memory_space<hbm>> -> memref<128xi32, #tpu.memory_space<hbm>>
      %dma_wait3A_322 = arith.constant 0 : i32
      %dma_wait3A_323 = tpu.memref_slice %arg3[%dma_wait3A_318, %dma_wait3A_322] : memref<5120x128xi32, #tpu.memory_space<hbm>> -> memref<1x128xi32, #tpu.memory_space<hbm>>
      %dma_wait3A_324 = tpu.memref_squeeze %dma_wait3A_323 : memref<1x128xi32, #tpu.memory_space<hbm>> -> memref<128xi32, #tpu.memory_space<hbm>>
      tpu.wait_dma2 semaphore(%arg24 : memref<!tpu.dma_semaphore, #tpu.memory_space<semaphore_mem>>) src(%dma_wait3A_324 : memref<128xi32, #tpu.memory_space<hbm>>) dst(%arg12 : memref<128xi32, #tpu.memory_space<vmem>>)
      %dma_wait3A_325 = arith.constant 0 : i32
      %dma_wait3A_326 = arith.constant 0 : i32
      %dma_wait3A_327 = tpu.memref_slice %arg4[%dma_wait3A_325, %dma_wait3A_326] : memref<5120x128xi32, #tpu.memory_space<hbm>> -> memref<1x128xi32, #tpu.memory_space<hbm>>
      %dma_wait3A_328 = tpu.memref_squeeze %dma_wait3A_327 : memref<1x128xi32, #tpu.memory_space<hbm>> -> memref<128xi32, #tpu.memory_space<hbm>>
      %dma_wait3A_329 = arith.constant 0 : i32
      %dma_wait3A_330 = tpu.memref_slice %arg4[%dma_wait3A_325, %dma_wait3A_329] : memref<5120x128xi32, #tpu.memory_space<hbm>> -> memref<1x128xi32, #tpu.memory_space<hbm>>
      %dma_wait3A_331 = tpu.memref_squeeze %dma_wait3A_330 : memref<1x128xi32, #tpu.memory_space<hbm>> -> memref<128xi32, #tpu.memory_space<hbm>>
      tpu.wait_dma2 semaphore(%arg24 : memref<!tpu.dma_semaphore, #tpu.memory_space<semaphore_mem>>) src(%dma_wait3A_331 : memref<128xi32, #tpu.memory_space<hbm>>) dst(%arg13 : memref<128xi32, #tpu.memory_space<vmem>>)
      %dma_start3A_332 = arith.constant 0 : i32
      %dma_start3A_333 = arith.constant 0 : i32
      %dma_start3A_334 = tpu.memref_slice %arg2[%dma_start3A_332, %dma_start3A_333] : memref<20000x128xf32, #tpu.memory_space<hbm>> -> memref<20000x128xf32, #tpu.memory_space<hbm>>
      tpu.enqueue_indirect_dma source(%dma_start3A_334 : memref<20000x128xf32, #tpu.memory_space<hbm>>) target(%arg14 : memref<128x128xf32, #tpu.memory_space<vmem>>) offsets(%arg10 : memref<128xi32, #tpu.memory_space<vmem>>) semaphore(%arg17 : memref<!tpu.dma_semaphore, #tpu.memory_space<semaphore_mem>>)
      %dma_start3A_335 = arith.constant 0 : i32
      %dma_start3A_336 = arith.constant 0 : i32
      %dma_start3A_337 = tpu.memref_slice %arg2[%dma_start3A_335, %dma_start3A_336] : memref<20000x128xf32, #tpu.memory_space<hbm>> -> memref<20000x128xf32, #tpu.memory_space<hbm>>
      tpu.enqueue_indirect_dma source(%dma_start3A_337 : memref<20000x128xf32, #tpu.memory_space<hbm>>) target(%arg15 : memref<128x128xf32, #tpu.memory_space<vmem>>) offsets(%arg12 : memref<128xi32, #tpu.memory_space<vmem>>) semaphore(%arg17 : memref<!tpu.dma_semaphore, #tpu.memory_space<semaphore_mem>>)
      %dma_wait3A_338 = arith.constant 0 : i32
      %dma_wait3A_339 = arith.constant 0 : i32
      %dma_wait3A_340 = tpu.memref_slice %arg2[%dma_wait3A_338, %dma_wait3A_339] : memref<20000x128xf32, #tpu.memory_space<hbm>> -> memref<20000x128xf32, #tpu.memory_space<hbm>>
      tpu.wait_indirect_dma semaphore(%arg17 : memref<!tpu.dma_semaphore, #tpu.memory_space<semaphore_mem>>) src(%dma_wait3A_340 : memref<20000x128xf32, #tpu.memory_space<hbm>>) dst(%arg14 : memref<128x128xf32, #tpu.memory_space<vmem>>)
      %dma_wait3A_341 = arith.constant 0 : i32
      %dma_wait3A_342 = arith.constant 0 : i32
      %dma_wait3A_343 = tpu.memref_slice %arg2[%dma_wait3A_341, %dma_wait3A_342] : memref<20000x128xf32, #tpu.memory_space<hbm>> -> memref<20000x128xf32, #tpu.memory_space<hbm>>
      tpu.wait_indirect_dma semaphore(%arg17 : memref<!tpu.dma_semaphore, #tpu.memory_space<semaphore_mem>>) src(%dma_wait3A_343 : memref<20000x128xf32, #tpu.memory_space<hbm>>) dst(%arg15 : memref<128x128xf32, #tpu.memory_space<vmem>>)
      %dma_start3A_344 = arith.constant 0 : i32
      %dma_start3A_345 = arith.constant 0 : i32
      %dma_start3A_346 = tpu.memref_slice %arg16[%dma_start3A_344, %dma_start3A_345] : memref<10240x128xf32, #tpu.memory_space<vmem_shared>> -> memref<10240x128xf32, #tpu.memory_space<vmem_shared>>
      tpu.enqueue_indirect_dma source(%arg14 : memref<128x128xf32, #tpu.memory_space<vmem>>) target(%dma_start3A_346 : memref<10240x128xf32, #tpu.memory_space<vmem_shared>>) offsets(%arg11 : memref<128xi32, #tpu.memory_space<vmem>>) semaphore(%arg19 : memref<!tpu.dma_semaphore, #tpu.memory_space<semaphore_mem>>) {add = true}
      %dma_start3A_347 = arith.constant 0 : i32
      %dma_start3A_348 = arith.constant 0 : i32
      %dma_start3A_349 = tpu.memref_slice %arg16[%dma_start3A_347, %dma_start3A_348] : memref<10240x128xf32, #tpu.memory_space<vmem_shared>> -> memref<10240x128xf32, #tpu.memory_space<vmem_shared>>
      tpu.enqueue_indirect_dma source(%arg15 : memref<128x128xf32, #tpu.memory_space<vmem>>) target(%dma_start3A_349 : memref<10240x128xf32, #tpu.memory_space<vmem_shared>>) offsets(%arg13 : memref<128xi32, #tpu.memory_space<vmem>>) semaphore(%arg19 : memref<!tpu.dma_semaphore, #tpu.memory_space<semaphore_mem>>) {add = true}
      %dma_wait3A_350 = arith.constant 0 : i32
      %dma_wait3A_351 = arith.constant 0 : i32
      %dma_wait3A_352 = tpu.memref_slice %arg16[%dma_wait3A_350, %dma_wait3A_351] : memref<10240x128xf32, #tpu.memory_space<vmem_shared>> -> memref<10240x128xf32, #tpu.memory_space<vmem_shared>>
      tpu.wait_indirect_dma semaphore(%arg19 : memref<!tpu.dma_semaphore, #tpu.memory_space<semaphore_mem>>) src(%arg14 : memref<128x128xf32, #tpu.memory_space<vmem>>) dst(%dma_wait3A_352 : memref<10240x128xf32, #tpu.memory_space<vmem_shared>>)
      %dma_wait3A_353 = arith.constant 0 : i32
      %dma_wait3A_354 = arith.constant 0 : i32
      %dma_wait3A_355 = tpu.memref_slice %arg16[%dma_wait3A_353, %dma_wait3A_354] : memref<10240x128xf32, #tpu.memory_space<vmem_shared>> -> memref<10240x128xf32, #tpu.memory_space<vmem_shared>>
      tpu.wait_indirect_dma semaphore(%arg19 : memref<!tpu.dma_semaphore, #tpu.memory_space<semaphore_mem>>) src(%arg14 : memref<128x128xf32, #tpu.memory_space<vmem>>) dst(%dma_wait3A_355 : memref<10240x128xf32, #tpu.memory_space<vmem_shared>>)
      %mul3A_356 = arith.constant 2 : i32
      %mul3A_357 = arith.muli %mul3A_356, %add3A_303 : i32
      %add3A_358 = arith.constant 4 : i32
      %add3A_359 = arith.addi %mul3A_357, %add3A_358 : i32
      %add3A_360 = arith.addi %mul3A_29, %add3A_359 : i32
      %dma_start3A_361 = arith.constant 0 : i32
      %dma_start3A_362 = tpu.memref_slice %arg3[%add3A_360, %dma_start3A_361] : memref<5120x128xi32, #tpu.memory_space<hbm>> -> memref<1x128xi32, #tpu.memory_space<hbm>>
      %dma_start3A_363 = tpu.memref_squeeze %dma_start3A_362 : memref<1x128xi32, #tpu.memory_space<hbm>> -> memref<128xi32, #tpu.memory_space<hbm>>
      %dma_start3A_364 = arith.constant 0 : i32
      %dma_start3A_365 = tpu.memref_slice %arg3[%add3A_360, %dma_start3A_364] : memref<5120x128xi32, #tpu.memory_space<hbm>> -> memref<1x128xi32, #tpu.memory_space<hbm>>
      %dma_start3A_366 = tpu.memref_squeeze %dma_start3A_365 : memref<1x128xi32, #tpu.memory_space<hbm>> -> memref<128xi32, #tpu.memory_space<hbm>>
      tpu.enqueue_dma source(%dma_start3A_366 : memref<128xi32, #tpu.memory_space<hbm>>) target(%arg10 : memref<128xi32, #tpu.memory_space<vmem>>) target_semaphore(%arg23 : memref<!tpu.dma_semaphore, #tpu.memory_space<semaphore_mem>>)
      %add3A_367 = arith.addi %mul3A_29, %add3A_359 : i32
      %dma_start3A_368 = arith.constant 0 : i32
      %dma_start3A_369 = tpu.memref_slice %arg4[%add3A_367, %dma_start3A_368] : memref<5120x128xi32, #tpu.memory_space<hbm>> -> memref<1x128xi32, #tpu.memory_space<hbm>>
      %dma_start3A_370 = tpu.memref_squeeze %dma_start3A_369 : memref<1x128xi32, #tpu.memory_space<hbm>> -> memref<128xi32, #tpu.memory_space<hbm>>
      %dma_start3A_371 = arith.constant 0 : i32
      %dma_start3A_372 = tpu.memref_slice %arg4[%add3A_367, %dma_start3A_371] : memref<5120x128xi32, #tpu.memory_space<hbm>> -> memref<1x128xi32, #tpu.memory_space<hbm>>
      %dma_start3A_373 = tpu.memref_squeeze %dma_start3A_372 : memref<1x128xi32, #tpu.memory_space<hbm>> -> memref<128xi32, #tpu.memory_space<hbm>>
      tpu.enqueue_dma source(%dma_start3A_373 : memref<128xi32, #tpu.memory_space<hbm>>) target(%arg11 : memref<128xi32, #tpu.memory_space<vmem>>) target_semaphore(%arg23 : memref<!tpu.dma_semaphore, #tpu.memory_space<semaphore_mem>>)
      %mul3A_374 = arith.constant 2 : i32
      %mul3A_375 = arith.muli %mul3A_374, %add3A_303 : i32
      %add3A_376 = arith.constant 5 : i32
      %add3A_377 = arith.addi %mul3A_375, %add3A_376 : i32
      %add3A_378 = arith.addi %mul3A_29, %add3A_377 : i32
      %dma_start3A_379 = arith.constant 0 : i32
      %dma_start3A_380 = tpu.memref_slice %arg3[%add3A_378, %dma_start3A_379] : memref<5120x128xi32, #tpu.memory_space<hbm>> -> memref<1x128xi32, #tpu.memory_space<hbm>>
      %dma_start3A_381 = tpu.memref_squeeze %dma_start3A_380 : memref<1x128xi32, #tpu.memory_space<hbm>> -> memref<128xi32, #tpu.memory_space<hbm>>
      %dma_start3A_382 = arith.constant 0 : i32
      %dma_start3A_383 = tpu.memref_slice %arg3[%add3A_378, %dma_start3A_382] : memref<5120x128xi32, #tpu.memory_space<hbm>> -> memref<1x128xi32, #tpu.memory_space<hbm>>
      %dma_start3A_384 = tpu.memref_squeeze %dma_start3A_383 : memref<1x128xi32, #tpu.memory_space<hbm>> -> memref<128xi32, #tpu.memory_space<hbm>>
      tpu.enqueue_dma source(%dma_start3A_384 : memref<128xi32, #tpu.memory_space<hbm>>) target(%arg12 : memref<128xi32, #tpu.memory_space<vmem>>) target_semaphore(%arg24 : memref<!tpu.dma_semaphore, #tpu.memory_space<semaphore_mem>>)
      %add3A_385 = arith.addi %mul3A_29, %add3A_377 : i32
      %dma_start3A_386 = arith.constant 0 : i32
      %dma_start3A_387 = tpu.memref_slice %arg4[%add3A_385, %dma_start3A_386] : memref<5120x128xi32, #tpu.memory_space<hbm>> -> memref<1x128xi32, #tpu.memory_space<hbm>>
      %dma_start3A_388 = tpu.memref_squeeze %dma_start3A_387 : memref<1x128xi32, #tpu.memory_space<hbm>> -> memref<128xi32, #tpu.memory_space<hbm>>
      %dma_start3A_389 = arith.constant 0 : i32
      %dma_start3A_390 = tpu.memref_slice %arg4[%add3A_385, %dma_start3A_389] : memref<5120x128xi32, #tpu.memory_space<hbm>> -> memref<1x128xi32, #tpu.memory_space<hbm>>
      %dma_start3A_391 = tpu.memref_squeeze %dma_start3A_390 : memref<1x128xi32, #tpu.memory_space<hbm>> -> memref<128xi32, #tpu.memory_space<hbm>>
      tpu.enqueue_dma source(%dma_start3A_391 : memref<128xi32, #tpu.memory_space<hbm>>) target(%arg13 : memref<128xi32, #tpu.memory_space<vmem>>) target_semaphore(%arg24 : memref<!tpu.dma_semaphore, #tpu.memory_space<semaphore_mem>>)
      %scan3A_392 = arith.constant 0 : i32
      scf.yield %scan3A_392 : i32
    }
    %scan3A_99 = arith.constant 39 : i32
    %dma_wait3A = arith.constant 0 : i32
    %dma_wait3A_100 = arith.constant 0 : i32
    %dma_wait3A_101 = tpu.memref_slice %arg3[%dma_wait3A, %dma_wait3A_100] : memref<5120x128xi32, #tpu.memory_space<hbm>> -> memref<1x128xi32, #tpu.memory_space<hbm>>
    %dma_wait3A_102 = tpu.memref_squeeze %dma_wait3A_101 : memref<1x128xi32, #tpu.memory_space<hbm>> -> memref<128xi32, #tpu.memory_space<hbm>>
    %dma_wait3A_103 = arith.constant 0 : i32
    %dma_wait3A_104 = tpu.memref_slice %arg3[%dma_wait3A, %dma_wait3A_103] : memref<5120x128xi32, #tpu.memory_space<hbm>> -> memref<1x128xi32, #tpu.memory_space<hbm>>
    %dma_wait3A_105 = tpu.memref_squeeze %dma_wait3A_104 : memref<1x128xi32, #tpu.memory_space<hbm>> -> memref<128xi32, #tpu.memory_space<hbm>>
    tpu.wait_dma2 semaphore(%arg21 : memref<!tpu.dma_semaphore, #tpu.memory_space<semaphore_mem>>) src(%dma_wait3A_105 : memref<128xi32, #tpu.memory_space<hbm>>) dst(%arg6 : memref<128xi32, #tpu.memory_space<vmem>>)
    %dma_wait3A_106 = arith.constant 0 : i32
    %dma_wait3A_107 = arith.constant 0 : i32
    %dma_wait3A_108 = tpu.memref_slice %arg4[%dma_wait3A_106, %dma_wait3A_107] : memref<5120x128xi32, #tpu.memory_space<hbm>> -> memref<1x128xi32, #tpu.memory_space<hbm>>
    %dma_wait3A_109 = tpu.memref_squeeze %dma_wait3A_108 : memref<1x128xi32, #tpu.memory_space<hbm>> -> memref<128xi32, #tpu.memory_space<hbm>>
    %dma_wait3A_110 = arith.constant 0 : i32
    %dma_wait3A_111 = tpu.memref_slice %arg4[%dma_wait3A_106, %dma_wait3A_110] : memref<5120x128xi32, #tpu.memory_space<hbm>> -> memref<1x128xi32, #tpu.memory_space<hbm>>
    %dma_wait3A_112 = tpu.memref_squeeze %dma_wait3A_111 : memref<1x128xi32, #tpu.memory_space<hbm>> -> memref<128xi32, #tpu.memory_space<hbm>>
    tpu.wait_dma2 semaphore(%arg21 : memref<!tpu.dma_semaphore, #tpu.memory_space<semaphore_mem>>) src(%dma_wait3A_112 : memref<128xi32, #tpu.memory_space<hbm>>) dst(%arg7 : memref<128xi32, #tpu.memory_space<vmem>>)
    %dma_wait3A_113 = arith.constant 0 : i32
    %dma_wait3A_114 = arith.constant 0 : i32
    %dma_wait3A_115 = tpu.memref_slice %arg3[%dma_wait3A_113, %dma_wait3A_114] : memref<5120x128xi32, #tpu.memory_space<hbm>> -> memref<1x128xi32, #tpu.memory_space<hbm>>
    %dma_wait3A_116 = tpu.memref_squeeze %dma_wait3A_115 : memref<1x128xi32, #tpu.memory_space<hbm>> -> memref<128xi32, #tpu.memory_space<hbm>>
    %dma_wait3A_117 = arith.constant 0 : i32
    %dma_wait3A_118 = tpu.memref_slice %arg3[%dma_wait3A_113, %dma_wait3A_117] : memref<5120x128xi32, #tpu.memory_space<hbm>> -> memref<1x128xi32, #tpu.memory_space<hbm>>
    %dma_wait3A_119 = tpu.memref_squeeze %dma_wait3A_118 : memref<1x128xi32, #tpu.memory_space<hbm>> -> memref<128xi32, #tpu.memory_space<hbm>>
    tpu.wait_dma2 semaphore(%arg22 : memref<!tpu.dma_semaphore, #tpu.memory_space<semaphore_mem>>) src(%dma_wait3A_119 : memref<128xi32, #tpu.memory_space<hbm>>) dst(%arg8 : memref<128xi32, #tpu.memory_space<vmem>>)
    %dma_wait3A_120 = arith.constant 0 : i32
    %dma_wait3A_121 = arith.constant 0 : i32
    %dma_wait3A_122 = tpu.memref_slice %arg4[%dma_wait3A_120, %dma_wait3A_121] : memref<5120x128xi32, #tpu.memory_space<hbm>> -> memref<1x128xi32, #tpu.memory_space<hbm>>
    %dma_wait3A_123 = tpu.memref_squeeze %dma_wait3A_122 : memref<1x128xi32, #tpu.memory_space<hbm>> -> memref<128xi32, #tpu.memory_space<hbm>>
    %dma_wait3A_124 = arith.constant 0 : i32
    %dma_wait3A_125 = tpu.memref_slice %arg4[%dma_wait3A_120, %dma_wait3A_124] : memref<5120x128xi32, #tpu.memory_space<hbm>> -> memref<1x128xi32, #tpu.memory_space<hbm>>
    %dma_wait3A_126 = tpu.memref_squeeze %dma_wait3A_125 : memref<1x128xi32, #tpu.memory_space<hbm>> -> memref<128xi32, #tpu.memory_space<hbm>>
    tpu.wait_dma2 semaphore(%arg22 : memref<!tpu.dma_semaphore, #tpu.memory_space<semaphore_mem>>) src(%dma_wait3A_126 : memref<128xi32, #tpu.memory_space<hbm>>) dst(%arg9 : memref<128xi32, #tpu.memory_space<vmem>>)
    %dma_start3A_127 = arith.constant 0 : i32
    %dma_start3A_128 = arith.constant 0 : i32
    %dma_start3A_129 = tpu.memref_slice %arg2[%dma_start3A_127, %dma_start3A_128] : memref<20000x128xf32, #tpu.memory_space<hbm>> -> memref<20000x128xf32, #tpu.memory_space<hbm>>
    tpu.enqueue_indirect_dma source(%dma_start3A_129 : memref<20000x128xf32, #tpu.memory_space<hbm>>) target(%arg14 : memref<128x128xf32, #tpu.memory_space<vmem>>) offsets(%arg6 : memref<128xi32, #tpu.memory_space<vmem>>) semaphore(%arg17 : memref<!tpu.dma_semaphore, #tpu.memory_space<semaphore_mem>>)
    %dma_start3A_130 = arith.constant 0 : i32
    %dma_start3A_131 = arith.constant 0 : i32
    %dma_start3A_132 = tpu.memref_slice %arg2[%dma_start3A_130, %dma_start3A_131] : memref<20000x128xf32, #tpu.memory_space<hbm>> -> memref<20000x128xf32, #tpu.memory_space<hbm>>
    tpu.enqueue_indirect_dma source(%dma_start3A_132 : memref<20000x128xf32, #tpu.memory_space<hbm>>) target(%arg15 : memref<128x128xf32, #tpu.memory_space<vmem>>) offsets(%arg8 : memref<128xi32, #tpu.memory_space<vmem>>) semaphore(%arg17 : memref<!tpu.dma_semaphore, #tpu.memory_space<semaphore_mem>>)
    %dma_wait3A_133 = arith.constant 0 : i32
    %dma_wait3A_134 = arith.constant 0 : i32
    %dma_wait3A_135 = tpu.memref_slice %arg2[%dma_wait3A_133, %dma_wait3A_134] : memref<20000x128xf32, #tpu.memory_space<hbm>> -> memref<20000x128xf32, #tpu.memory_space<hbm>>
    tpu.wait_indirect_dma semaphore(%arg17 : memref<!tpu.dma_semaphore, #tpu.memory_space<semaphore_mem>>) src(%dma_wait3A_135 : memref<20000x128xf32, #tpu.memory_space<hbm>>) dst(%arg14 : memref<128x128xf32, #tpu.memory_space<vmem>>)
    %dma_wait3A_136 = arith.constant 0 : i32
    %dma_wait3A_137 = arith.constant 0 : i32
    %dma_wait3A_138 = tpu.memref_slice %arg2[%dma_wait3A_136, %dma_wait3A_137] : memref<20000x128xf32, #tpu.memory_space<hbm>> -> memref<20000x128xf32, #tpu.memory_space<hbm>>
    tpu.wait_indirect_dma semaphore(%arg17 : memref<!tpu.dma_semaphore, #tpu.memory_space<semaphore_mem>>) src(%dma_wait3A_138 : memref<20000x128xf32, #tpu.memory_space<hbm>>) dst(%arg15 : memref<128x128xf32, #tpu.memory_space<vmem>>)
    %dma_start3A_139 = arith.constant 0 : i32
    %dma_start3A_140 = arith.constant 0 : i32
    %dma_start3A_141 = tpu.memref_slice %arg16[%dma_start3A_139, %dma_start3A_140] : memref<10240x128xf32, #tpu.memory_space<vmem_shared>> -> memref<10240x128xf32, #tpu.memory_space<vmem_shared>>
    tpu.enqueue_indirect_dma source(%arg14 : memref<128x128xf32, #tpu.memory_space<vmem>>) target(%dma_start3A_141 : memref<10240x128xf32, #tpu.memory_space<vmem_shared>>) offsets(%arg7 : memref<128xi32, #tpu.memory_space<vmem>>) semaphore(%arg19 : memref<!tpu.dma_semaphore, #tpu.memory_space<semaphore_mem>>) {add = true}
    %dma_start3A_142 = arith.constant 0 : i32
    %dma_start3A_143 = arith.constant 0 : i32
    %dma_start3A_144 = tpu.memref_slice %arg16[%dma_start3A_142, %dma_start3A_143] : memref<10240x128xf32, #tpu.memory_space<vmem_shared>> -> memref<10240x128xf32, #tpu.memory_space<vmem_shared>>
    tpu.enqueue_indirect_dma source(%arg15 : memref<128x128xf32, #tpu.memory_space<vmem>>) target(%dma_start3A_144 : memref<10240x128xf32, #tpu.memory_space<vmem_shared>>) offsets(%arg9 : memref<128xi32, #tpu.memory_space<vmem>>) semaphore(%arg19 : memref<!tpu.dma_semaphore, #tpu.memory_space<semaphore_mem>>) {add = true}
    %dma_wait3A_145 = arith.constant 0 : i32
    %dma_wait3A_146 = arith.constant 0 : i32
    %dma_wait3A_147 = tpu.memref_slice %arg16[%dma_wait3A_145, %dma_wait3A_146] : memref<10240x128xf32, #tpu.memory_space<vmem_shared>> -> memref<10240x128xf32, #tpu.memory_space<vmem_shared>>
    tpu.wait_indirect_dma semaphore(%arg19 : memref<!tpu.dma_semaphore, #tpu.memory_space<semaphore_mem>>) src(%arg14 : memref<128x128xf32, #tpu.memory_space<vmem>>) dst(%dma_wait3A_147 : memref<10240x128xf32, #tpu.memory_space<vmem_shared>>)
    %dma_wait3A_148 = arith.constant 0 : i32
    %dma_wait3A_149 = arith.constant 0 : i32
    %dma_wait3A_150 = tpu.memref_slice %arg16[%dma_wait3A_148, %dma_wait3A_149] : memref<10240x128xf32, #tpu.memory_space<vmem_shared>> -> memref<10240x128xf32, #tpu.memory_space<vmem_shared>>
    tpu.wait_indirect_dma semaphore(%arg19 : memref<!tpu.dma_semaphore, #tpu.memory_space<semaphore_mem>>) src(%arg14 : memref<128x128xf32, #tpu.memory_space<vmem>>) dst(%dma_wait3A_150 : memref<10240x128xf32, #tpu.memory_space<vmem_shared>>)
    %dma_wait3A_151 = arith.constant 0 : i32
    %dma_wait3A_152 = arith.constant 0 : i32
    %dma_wait3A_153 = tpu.memref_slice %arg3[%dma_wait3A_151, %dma_wait3A_152] : memref<5120x128xi32, #tpu.memory_space<hbm>> -> memref<1x128xi32, #tpu.memory_space<hbm>>
    %dma_wait3A_154 = tpu.memref_squeeze %dma_wait3A_153 : memref<1x128xi32, #tpu.memory_space<hbm>> -> memref<128xi32, #tpu.memory_space<hbm>>
    %dma_wait3A_155 = arith.constant 0 : i32
    %dma_wait3A_156 = tpu.memref_slice %arg3[%dma_wait3A_151, %dma_wait3A_155] : memref<5120x128xi32, #tpu.memory_space<hbm>> -> memref<1x128xi32, #tpu.memory_space<hbm>>
    %dma_wait3A_157 = tpu.memref_squeeze %dma_wait3A_156 : memref<1x128xi32, #tpu.memory_space<hbm>> -> memref<128xi32, #tpu.memory_space<hbm>>
    tpu.wait_dma2 semaphore(%arg23 : memref<!tpu.dma_semaphore, #tpu.memory_space<semaphore_mem>>) src(%dma_wait3A_157 : memref<128xi32, #tpu.memory_space<hbm>>) dst(%arg10 : memref<128xi32, #tpu.memory_space<vmem>>)
    %dma_wait3A_158 = arith.constant 0 : i32
    %dma_wait3A_159 = arith.constant 0 : i32
    %dma_wait3A_160 = tpu.memref_slice %arg4[%dma_wait3A_158, %dma_wait3A_159] : memref<5120x128xi32, #tpu.memory_space<hbm>> -> memref<1x128xi32, #tpu.memory_space<hbm>>
    %dma_wait3A_161 = tpu.memref_squeeze %dma_wait3A_160 : memref<1x128xi32, #tpu.memory_space<hbm>> -> memref<128xi32, #tpu.memory_space<hbm>>
    %dma_wait3A_162 = arith.constant 0 : i32
    %dma_wait3A_163 = tpu.memref_slice %arg4[%dma_wait3A_158, %dma_wait3A_162] : memref<5120x128xi32, #tpu.memory_space<hbm>> -> memref<1x128xi32, #tpu.memory_space<hbm>>
    %dma_wait3A_164 = tpu.memref_squeeze %dma_wait3A_163 : memref<1x128xi32, #tpu.memory_space<hbm>> -> memref<128xi32, #tpu.memory_space<hbm>>
    tpu.wait_dma2 semaphore(%arg23 : memref<!tpu.dma_semaphore, #tpu.memory_space<semaphore_mem>>) src(%dma_wait3A_164 : memref<128xi32, #tpu.memory_space<hbm>>) dst(%arg11 : memref<128xi32, #tpu.memory_space<vmem>>)
    %dma_wait3A_165 = arith.constant 0 : i32
    %dma_wait3A_166 = arith.constant 0 : i32
    %dma_wait3A_167 = tpu.memref_slice %arg3[%dma_wait3A_165, %dma_wait3A_166] : memref<5120x128xi32, #tpu.memory_space<hbm>> -> memref<1x128xi32, #tpu.memory_space<hbm>>
    %dma_wait3A_168 = tpu.memref_squeeze %dma_wait3A_167 : memref<1x128xi32, #tpu.memory_space<hbm>> -> memref<128xi32, #tpu.memory_space<hbm>>
    %dma_wait3A_169 = arith.constant 0 : i32
    %dma_wait3A_170 = tpu.memref_slice %arg3[%dma_wait3A_165, %dma_wait3A_169] : memref<5120x128xi32, #tpu.memory_space<hbm>> -> memref<1x128xi32, #tpu.memory_space<hbm>>
    %dma_wait3A_171 = tpu.memref_squeeze %dma_wait3A_170 : memref<1x128xi32, #tpu.memory_space<hbm>> -> memref<128xi32, #tpu.memory_space<hbm>>
    tpu.wait_dma2 semaphore(%arg24 : memref<!tpu.dma_semaphore, #tpu.memory_space<semaphore_mem>>) src(%dma_wait3A_171 : memref<128xi32, #tpu.memory_space<hbm>>) dst(%arg12 : memref<128xi32, #tpu.memory_space<vmem>>)
    %dma_wait3A_172 = arith.constant 0 : i32
    %dma_wait3A_173 = arith.constant 0 : i32
    %dma_wait3A_174 = tpu.memref_slice %arg4[%dma_wait3A_172, %dma_wait3A_173] : memref<5120x128xi32, #tpu.memory_space<hbm>> -> memref<1x128xi32, #tpu.memory_space<hbm>>
    %dma_wait3A_175 = tpu.memref_squeeze %dma_wait3A_174 : memref<1x128xi32, #tpu.memory_space<hbm>> -> memref<128xi32, #tpu.memory_space<hbm>>
    %dma_wait3A_176 = arith.constant 0 : i32
    %dma_wait3A_177 = tpu.memref_slice %arg4[%dma_wait3A_172, %dma_wait3A_176] : memref<5120x128xi32, #tpu.memory_space<hbm>> -> memref<1x128xi32, #tpu.memory_space<hbm>>
    %dma_wait3A_178 = tpu.memref_squeeze %dma_wait3A_177 : memref<1x128xi32, #tpu.memory_space<hbm>> -> memref<128xi32, #tpu.memory_space<hbm>>
    tpu.wait_dma2 semaphore(%arg24 : memref<!tpu.dma_semaphore, #tpu.memory_space<semaphore_mem>>) src(%dma_wait3A_178 : memref<128xi32, #tpu.memory_space<hbm>>) dst(%arg13 : memref<128xi32, #tpu.memory_space<vmem>>)
    %dma_start3A_179 = arith.constant 0 : i32
    %dma_start3A_180 = arith.constant 0 : i32
    %dma_start3A_181 = tpu.memref_slice %arg2[%dma_start3A_179, %dma_start3A_180] : memref<20000x128xf32, #tpu.memory_space<hbm>> -> memref<20000x128xf32, #tpu.memory_space<hbm>>
    tpu.enqueue_indirect_dma source(%dma_start3A_181 : memref<20000x128xf32, #tpu.memory_space<hbm>>) target(%arg14 : memref<128x128xf32, #tpu.memory_space<vmem>>) offsets(%arg10 : memref<128xi32, #tpu.memory_space<vmem>>) semaphore(%arg17 : memref<!tpu.dma_semaphore, #tpu.memory_space<semaphore_mem>>)
    %dma_start3A_182 = arith.constant 0 : i32
    %dma_start3A_183 = arith.constant 0 : i32
    %dma_start3A_184 = tpu.memref_slice %arg2[%dma_start3A_182, %dma_start3A_183] : memref<20000x128xf32, #tpu.memory_space<hbm>> -> memref<20000x128xf32, #tpu.memory_space<hbm>>
    tpu.enqueue_indirect_dma source(%dma_start3A_184 : memref<20000x128xf32, #tpu.memory_space<hbm>>) target(%arg15 : memref<128x128xf32, #tpu.memory_space<vmem>>) offsets(%arg12 : memref<128xi32, #tpu.memory_space<vmem>>) semaphore(%arg17 : memref<!tpu.dma_semaphore, #tpu.memory_space<semaphore_mem>>)
    %dma_wait3A_185 = arith.constant 0 : i32
    %dma_wait3A_186 = arith.constant 0 : i32
    %dma_wait3A_187 = tpu.memref_slice %arg2[%dma_wait3A_185, %dma_wait3A_186] : memref<20000x128xf32, #tpu.memory_space<hbm>> -> memref<20000x128xf32, #tpu.memory_space<hbm>>
    tpu.wait_indirect_dma semaphore(%arg17 : memref<!tpu.dma_semaphore, #tpu.memory_space<semaphore_mem>>) src(%dma_wait3A_187 : memref<20000x128xf32, #tpu.memory_space<hbm>>) dst(%arg14 : memref<128x128xf32, #tpu.memory_space<vmem>>)
    %dma_wait3A_188 = arith.constant 0 : i32
    %dma_wait3A_189 = arith.constant 0 : i32
    %dma_wait3A_190 = tpu.memref_slice %arg2[%dma_wait3A_188, %dma_wait3A_189] : memref<20000x128xf32, #tpu.memory_space<hbm>> -> memref<20000x128xf32, #tpu.memory_space<hbm>>
    tpu.wait_indirect_dma semaphore(%arg17 : memref<!tpu.dma_semaphore, #tpu.memory_space<semaphore_mem>>) src(%dma_wait3A_190 : memref<20000x128xf32, #tpu.memory_space<hbm>>) dst(%arg15 : memref<128x128xf32, #tpu.memory_space<vmem>>)
    %dma_start3A_191 = arith.constant 0 : i32
    %dma_start3A_192 = arith.constant 0 : i32
    %dma_start3A_193 = tpu.memref_slice %arg16[%dma_start3A_191, %dma_start3A_192] : memref<10240x128xf32, #tpu.memory_space<vmem_shared>> -> memref<10240x128xf32, #tpu.memory_space<vmem_shared>>
    tpu.enqueue_indirect_dma source(%arg14 : memref<128x128xf32, #tpu.memory_space<vmem>>) target(%dma_start3A_193 : memref<10240x128xf32, #tpu.memory_space<vmem_shared>>) offsets(%arg11 : memref<128xi32, #tpu.memory_space<vmem>>) semaphore(%arg19 : memref<!tpu.dma_semaphore, #tpu.memory_space<semaphore_mem>>) {add = true}
    %dma_start3A_194 = arith.constant 0 : i32
    %dma_start3A_195 = arith.constant 0 : i32
    %dma_start3A_196 = tpu.memref_slice %arg16[%dma_start3A_194, %dma_start3A_195] : memref<10240x128xf32, #tpu.memory_space<vmem_shared>> -> memref<10240x128xf32, #tpu.memory_space<vmem_shared>>
    tpu.enqueue_indirect_dma source(%arg15 : memref<128x128xf32, #tpu.memory_space<vmem>>) target(%dma_start3A_196 : memref<10240x128xf32, #tpu.memory_space<vmem_shared>>) offsets(%arg13 : memref<128xi32, #tpu.memory_space<vmem>>) semaphore(%arg19 : memref<!tpu.dma_semaphore, #tpu.memory_space<semaphore_mem>>) {add = true}
    %dma_wait3A_197 = arith.constant 0 : i32
    %dma_wait3A_198 = arith.constant 0 : i32
    %dma_wait3A_199 = tpu.memref_slice %arg16[%dma_wait3A_197, %dma_wait3A_198] : memref<10240x128xf32, #tpu.memory_space<vmem_shared>> -> memref<10240x128xf32, #tpu.memory_space<vmem_shared>>
    tpu.wait_indirect_dma semaphore(%arg19 : memref<!tpu.dma_semaphore, #tpu.memory_space<semaphore_mem>>) src(%arg14 : memref<128x128xf32, #tpu.memory_space<vmem>>) dst(%dma_wait3A_199 : memref<10240x128xf32, #tpu.memory_space<vmem_shared>>)
    %dma_wait3A_200 = arith.constant 0 : i32
    %dma_wait3A_201 = arith.constant 0 : i32
    %dma_wait3A_202 = tpu.memref_slice %arg16[%dma_wait3A_200, %dma_wait3A_201] : memref<10240x128xf32, #tpu.memory_space<vmem_shared>> -> memref<10240x128xf32, #tpu.memory_space<vmem_shared>>
    tpu.wait_indirect_dma semaphore(%arg19 : memref<!tpu.dma_semaphore, #tpu.memory_space<semaphore_mem>>) src(%arg14 : memref<128x128xf32, #tpu.memory_space<vmem>>) dst(%dma_wait3A_202 : memref<10240x128xf32, #tpu.memory_space<vmem_shared>>)
    %barrier3A_203 = arith.constant 0 : index
    tpu.barrier barrier_id(%barrier3A_203)
    %mul3A_204 = arith.constant 640 : i32
    %mul3A_205 = arith.muli %arg1, %mul3A_204 : i32
    %mul3A_206 = arith.constant 640 : i32
    %mul3A_207 = arith.muli %arg1, %mul3A_206 : i32
    "tpu.region"() ({
      %run_scoped3A = tpu.sem_alloc : memref<!tpu.dma_semaphore, #tpu.memory_space<semaphore_mem>>
      %dma_start3A_208 = arith.constant 0 : i32
      %dma_start3A_209 = tpu.memref_slice %arg5[%arg0, %mul3A_207, %dma_start3A_208] : memref<2x10240x128xf32, #tpu.memory_space<hbm>> -> memref<1x640x128xf32, #tpu.memory_space<hbm>>
      %dma_start3A_210 = tpu.memref_squeeze %dma_start3A_209 : memref<1x640x128xf32, #tpu.memory_space<hbm>> -> memref<640x128xf32, #tpu.memory_space<hbm>>
      %dma_start3A_211 = arith.constant 0 : i32
      %dma_start3A_212 = tpu.memref_slice %arg16[%mul3A_205, %dma_start3A_211] : memref<10240x128xf32, #tpu.memory_space<vmem_shared>> -> memref<640x128xf32, #tpu.memory_space<vmem_shared>>
      tpu.enqueue_dma source(%dma_start3A_212 : memref<640x128xf32, #tpu.memory_space<vmem_shared>>) target(%dma_start3A_210 : memref<640x128xf32, #tpu.memory_space<hbm>>) target_semaphore(%run_scoped3A : memref<!tpu.dma_semaphore, #tpu.memory_space<semaphore_mem>>)
      %dma_wait3A_213 = arith.constant 0 : i32
      %dma_wait3A_214 = tpu.memref_slice %arg5[%arg0, %mul3A_207, %dma_wait3A_213] : memref<2x10240x128xf32, #tpu.memory_space<hbm>> -> memref<1x640x128xf32, #tpu.memory_space<hbm>>
      %dma_wait3A_215 = tpu.memref_squeeze %dma_wait3A_214 : memref<1x640x128xf32, #tpu.memory_space<hbm>> -> memref<640x128xf32, #tpu.memory_space<hbm>>
      %dma_wait3A_216 = arith.constant 0 : i32
      %dma_wait3A_217 = tpu.memref_slice %arg16[%mul3A_205, %dma_wait3A_216] : memref<10240x128xf32, #tpu.memory_space<vmem_shared>> -> memref<640x128xf32, #tpu.memory_space<vmem_shared>>
      tpu.wait_dma2 semaphore(%run_scoped3A : memref<!tpu.dma_semaphore, #tpu.memory_space<semaphore_mem>>) src(%dma_wait3A_217 : memref<640x128xf32, #tpu.memory_space<vmem_shared>>) dst(%dma_wait3A_215 : memref<640x128xf32, #tpu.memory_space<hbm>>)
      tpu.yield
    }) : () -> ()
    return
  }
}

module attributes {stable_mosaic.version = 14 : i64} {
  func.func @_dense1_body(%arg0: i32, %arg1: memref<1000x128xf32, #tpu.memory_space<vmem>>, %arg2: memref<128x128xf32, #tpu.memory_space<vmem>>, %arg3: memref<128x128xf32, #tpu.memory_space<vmem>>, %arg4: memref<1x128xf32, #tpu.memory_space<vmem>>, %arg5: memref<1x128xf32, #tpu.memory_space<vmem>>, %arg6: memref<2x128xf32, #tpu.memory_space<vmem>>, %arg7: memref<1x2xf32, #tpu.memory_space<vmem>>, %arg8: memref<2x1000x128xf32, #tpu.memory_space<vmem>>) attributes {dimension_semantics = [#tpu.dimension_semantics<arbitrary>], iteration_bounds = array<i64: 10>, scalar_prefetch = 0 : i64, scratch_operands = 0 : i64, tpu.core_type = #tpu.core_type<tc>, window_params = [{transform_indices = @transform_0, window_bounds = array<i64: 1000, 128>}, {pipeline_mode = #tpu.pipeline_mode<synchronous>, transform_indices = @transform_1, window_bounds = array<i64: 128, 128>}, {pipeline_mode = #tpu.pipeline_mode<synchronous>, transform_indices = @transform_2, window_bounds = array<i64: 128, 128>}, {pipeline_mode = #tpu.pipeline_mode<synchronous>, transform_indices = @transform_3, window_bounds = array<i64: 1, 128>}, {pipeline_mode = #tpu.pipeline_mode<synchronous>, transform_indices = @transform_4, window_bounds = array<i64: 1, 128>}, {pipeline_mode = #tpu.pipeline_mode<synchronous>, transform_indices = @transform_5, window_bounds = array<i64: 2, 128>}, {pipeline_mode = #tpu.pipeline_mode<synchronous>, transform_indices = @transform_6, window_bounds = array<i64: 1, 2>}, {transform_indices = @transform_7, window_bounds = array<i64: 2, 1000, 128>}]} {
    %get3A = arith.constant 0 : index
    %get3A_0 = arith.constant 0 : index
    %get3A_1 = vector.load %arg1[%get3A, %get3A_0] : memref<1000x128xf32, #tpu.memory_space<vmem>>, vector<1000x128xf32>
    %get3A_2 = arith.constant 0 : index
    %get3A_3 = arith.constant 0 : index
    %get3A_4 = vector.load %arg6[%get3A_2, %get3A_3] : memref<2x128xf32, #tpu.memory_space<vmem>>, vector<2x128xf32>
    %get3A_5 = arith.constant 0 : index
    %get3A_6 = arith.constant 0 : index
    %get3A_7 = vector.load %arg7[%get3A_5, %get3A_6] : memref<1x2xf32, #tpu.memory_space<vmem>>, vector<1x2xf32>
    %get3A_8 = arith.constant 0 : index
    %get3A_9 = arith.constant 0 : index
    %get3A_10 = vector.load %arg2[%get3A_8, %get3A_9] : memref<128x128xf32, #tpu.memory_space<vmem>>, vector<128x128xf32>
    %dot_general3A = arith.constant dense<0.000000e+00> : vector<1000x128xf32>
    %dot_general3A_11 = tpu.matmul %get3A_1, %get3A_10, %dot_general3A {dimension_numbers = #tpu.dot_dimension_numbers<[1], [0], [0], [1], [0, 0, 1, 1], [], []>, transpose_lhs_hint = false} : vector<1000x128xf32>, vector<128x128xf32>, vector<1000x128xf32> -> vector<1000x128xf32>
    %get3A_12 = arith.constant 0 : index
    %get3A_13 = arith.constant 0 : index
    %get3A_14 = vector.load %arg4[%get3A_12, %get3A_13] : memref<1x128xf32, #tpu.memory_space<vmem>>, vector<1x128xf32>
    %add3A = vector.broadcast %get3A_14 : vector<1x128xf32> to vector<1000x128xf32>
    %add3A_15 = arith.addf %dot_general3A_11, %add3A : vector<1000x128xf32>
    %slice3A = vector.extract_strided_slice %get3A_4 {offsets = [0, 0], sizes = [1, 128], strides = [1, 1]} : vector<2x128xf32> to vector<1x128xf32>
    %mul3A = vector.broadcast %slice3A : vector<1x128xf32> to vector<1000x128xf32>
    %mul3A_16 = arith.mulf %get3A_1, %mul3A : vector<1000x128xf32>
    %reduce_sum3A = arith.constant dense<0.000000e+00> : vector<1000xf32>
    %reduce_sum3A_17 = vector.multi_reduction <add>, %mul3A_16, %reduce_sum3A [1] : vector<1000x128xf32> to vector<1000xf32>
    %broadcast_in_dim3A = vector.shape_cast %reduce_sum3A_17 : vector<1000xf32> to vector<1000x1xf32>
    %slice3A_18 = vector.extract_strided_slice %get3A_7 {offsets = [0, 0], sizes = [1, 1], strides = [1, 1]} : vector<1x2xf32> to vector<1x1xf32>
    %add3A_19 = vector.broadcast %slice3A_18 : vector<1x1xf32> to vector<1000x1xf32>
    %add3A_20 = arith.addf %broadcast_in_dim3A, %add3A_19 : vector<1000x1xf32>
    %neg3A = arith.constant 0.000000e+00 : f32
    %neg3A_21 = vector.broadcast %neg3A : f32 to vector<1000x1xf32>
    %neg3A_22 = arith.subf %neg3A_21, %add3A_20 : vector<1000x1xf32>
    %exp3A = math.exp %neg3A_22 : vector<1000x1xf32>
    %add3A_23 = arith.constant 1.000000e+00 : f32
    %add3A_24 = vector.broadcast %add3A_23 : f32 to vector<1000x1xf32>
    %add3A_25 = arith.addf %add3A_24, %exp3A : vector<1000x1xf32>
    %div3A = arith.constant 1.000000e+00 : f32
    %div3A_26 = vector.broadcast %div3A : f32 to vector<1000x1xf32>
    %div3A_27 = arith.divf %div3A_26, %add3A_25 : vector<1000x1xf32>
    %mul3A_28 = vector.broadcast %div3A_27 : vector<1000x1xf32> to vector<1000x128xf32>
    %mul3A_29 = arith.mulf %add3A_15, %mul3A_28 : vector<1000x128xf32>
    %swap3A = arith.constant 0 : index
    %swap3A_30 = arith.constant 0 : index
    %swap3A_31 = arith.constant 0 : index
    %swap3A_32 = vector.load %arg8[%swap3A, %swap3A_30, %swap3A_31] : memref<2x1000x128xf32, #tpu.memory_space<vmem>>, vector<1x1000x128xf32>
    %swap3A_33 = vector.shape_cast %swap3A_32 : vector<1x1000x128xf32> to vector<1000x128xf32>
    %swap3A_34 = vector.shape_cast %mul3A_29 : vector<1000x128xf32> to vector<1x1000x128xf32>
    tpu.vector_store %arg8[%swap3A, %swap3A_30, %swap3A_31], %swap3A_34 {strides = array<i32>} : memref<2x1000x128xf32, #tpu.memory_space<vmem>>, vector<1x1000x128xf32>,
    %get3A_35 = arith.constant 0 : index
    %get3A_36 = arith.constant 0 : index
    %get3A_37 = vector.load %arg3[%get3A_35, %get3A_36] : memref<128x128xf32, #tpu.memory_space<vmem>>, vector<128x128xf32>
    %dot_general3A_38 = arith.constant dense<0.000000e+00> : vector<1000x128xf32>
    %dot_general3A_39 = tpu.matmul %get3A_1, %get3A_37, %dot_general3A_38 {dimension_numbers = #tpu.dot_dimension_numbers<[1], [0], [0], [1], [0, 0, 1, 1], [], []>, transpose_lhs_hint = false} : vector<1000x128xf32>, vector<128x128xf32>, vector<1000x128xf32> -> vector<1000x128xf32>
    %get3A_40 = arith.constant 0 : index
    %get3A_41 = arith.constant 0 : index
    %get3A_42 = vector.load %arg5[%get3A_40, %get3A_41] : memref<1x128xf32, #tpu.memory_space<vmem>>, vector<1x128xf32>
    %add3A_43 = vector.broadcast %get3A_42 : vector<1x128xf32> to vector<1000x128xf32>
    %add3A_44 = arith.addf %dot_general3A_39, %add3A_43 : vector<1000x128xf32>
    %slice3A_45 = vector.extract_strided_slice %get3A_4 {offsets = [1, 0], sizes = [1, 128], strides = [1, 1]} : vector<2x128xf32> to vector<1x128xf32>
    %mul3A_46 = vector.broadcast %slice3A_45 : vector<1x128xf32> to vector<1000x128xf32>
    %mul3A_47 = arith.mulf %get3A_1, %mul3A_46 : vector<1000x128xf32>
    %reduce_sum3A_48 = arith.constant dense<0.000000e+00> : vector<1000xf32>
    %reduce_sum3A_49 = vector.multi_reduction <add>, %mul3A_47, %reduce_sum3A_48 [1] : vector<1000x128xf32> to vector<1000xf32>
    %broadcast_in_dim3A_50 = vector.shape_cast %reduce_sum3A_49 : vector<1000xf32> to vector<1000x1xf32>
    %slice3A_51 = vector.extract_strided_slice %get3A_7 {offsets = [0, 1], sizes = [1, 1], strides = [1, 1]} : vector<1x2xf32> to vector<1x1xf32>
    %add3A_52 = vector.broadcast %slice3A_51 : vector<1x1xf32> to vector<1000x1xf32>
    %add3A_53 = arith.addf %broadcast_in_dim3A_50, %add3A_52 : vector<1000x1xf32>
    %neg3A_54 = arith.constant 0.000000e+00 : f32
    %neg3A_55 = vector.broadcast %neg3A_54 : f32 to vector<1000x1xf32>
    %neg3A_56 = arith.subf %neg3A_55, %add3A_53 : vector<1000x1xf32>
    %exp3A_57 = math.exp %neg3A_56 : vector<1000x1xf32>
    %add3A_58 = arith.constant 1.000000e+00 : f32
    %add3A_59 = vector.broadcast %add3A_58 : f32 to vector<1000x1xf32>
    %add3A_60 = arith.addf %add3A_59, %exp3A_57 : vector<1000x1xf32>
    %div3A_61 = arith.constant 1.000000e+00 : f32
    %div3A_62 = vector.broadcast %div3A_61 : f32 to vector<1000x1xf32>
    %div3A_63 = arith.divf %div3A_62, %add3A_60 : vector<1000x1xf32>
    %mul3A_64 = vector.broadcast %div3A_63 : vector<1000x1xf32> to vector<1000x128xf32>
    %mul3A_65 = arith.mulf %add3A_44, %mul3A_64 : vector<1000x128xf32>
    %swap3A_66 = arith.constant 1 : index
    %swap3A_67 = arith.constant 0 : index
    %swap3A_68 = arith.constant 0 : index
    %swap3A_69 = vector.load %arg8[%swap3A_66, %swap3A_67, %swap3A_68] : memref<2x1000x128xf32, #tpu.memory_space<vmem>>, vector<1x1000x128xf32>
    %swap3A_70 = vector.shape_cast %swap3A_69 : vector<1x1000x128xf32> to vector<1000x128xf32>
    %swap3A_71 = vector.shape_cast %mul3A_65 : vector<1000x128xf32> to vector<1x1000x128xf32>
    tpu.vector_store %arg8[%swap3A_66, %swap3A_67, %swap3A_68], %swap3A_71 {strides = array<i32>} : memref<2x1000x128xf32, #tpu.memory_space<vmem>>, vector<1x1000x128xf32>,
    return
  }
  func.func @transform_0(%arg0: i32) -> (i32, i32) {
    %c0_i32 = arith.constant 0 : i32
    %c0_i32_0 = arith.constant 0 : i32
    return %arg0, %c0_i32 : i32, i32
  }
  func.func @transform_1(%arg0: i32) -> (i32, i32) {
    %c0_i32 = arith.constant 0 : i32
    %c0_i32_0 = arith.constant 0 : i32
    %c0_i32_1 = arith.constant 0 : i32
    return %c0_i32, %c0_i32_0 : i32, i32
  }
  func.func @transform_2(%arg0: i32) -> (i32, i32) {
    %c0_i32 = arith.constant 0 : i32
    %c0_i32_0 = arith.constant 0 : i32
    %c0_i32_1 = arith.constant 0 : i32
    return %c0_i32, %c0_i32_0 : i32, i32
  }
  func.func @transform_3(%arg0: i32) -> (i32, i32) {
    %c0_i32 = arith.constant 0 : i32
    %c0_i32_0 = arith.constant 0 : i32
    %c0_i32_1 = arith.constant 0 : i32
    return %c0_i32, %c0_i32_0 : i32, i32
  }
  func.func @transform_4(%arg0: i32) -> (i32, i32) {
    %c0_i32 = arith.constant 0 : i32
    %c0_i32_0 = arith.constant 0 : i32
    %c0_i32_1 = arith.constant 0 : i32
    return %c0_i32, %c0_i32_0 : i32, i32
  }
  func.func @transform_5(%arg0: i32) -> (i32, i32) {
    %c0_i32 = arith.constant 0 : i32
    %c0_i32_0 = arith.constant 0 : i32
    %c0_i32_1 = arith.constant 0 : i32
    return %c0_i32, %c0_i32_0 : i32, i32
  }
  func.func @transform_6(%arg0: i32) -> (i32, i32) {
    %c0_i32 = arith.constant 0 : i32
    %c0_i32_0 = arith.constant 0 : i32
    %c0_i32_1 = arith.constant 0 : i32
    return %c0_i32, %c0_i32_0 : i32, i32
  }
  func.func @transform_7(%arg0: i32) -> (i32, i32, i32) {
    %c0_i32 = arith.constant 0 : i32
    %c0_i32_0 = arith.constant 0 : i32
    %c0_i32_1 = arith.constant 0 : i32
    return %c0_i32, %arg0, %c0_i32_0 : i32, i32, i32
  }
}

module attributes {stable_mosaic.version = 14 : i64} {
  func.func @_combine_body(%arg0: i32, %arg1: memref<2x1000x128xf32, #tpu.memory_space<vmem>>, %arg2: memref<1000x128xf32, #tpu.memory_space<vmem>>, %arg3: memref<128x128xf32, #tpu.memory_space<vmem>>, %arg4: memref<1x128xf32, #tpu.memory_space<vmem>>, %arg5: memref<1000x128xf32, #tpu.memory_space<vmem>>) attributes {dimension_semantics = [#tpu.dimension_semantics<arbitrary>], iteration_bounds = array<i64: 10>, scalar_prefetch = 0 : i64, scratch_operands = 0 : i64, tpu.core_type = #tpu.core_type<tc>, window_params = [{transform_indices = @transform_0, window_bounds = array<i64: 2, 1000, 128>}, {transform_indices = @transform_1, window_bounds = array<i64: 1000, 128>}, {pipeline_mode = #tpu.pipeline_mode<synchronous>, transform_indices = @transform_2, window_bounds = array<i64: 128, 128>}, {pipeline_mode = #tpu.pipeline_mode<synchronous>, transform_indices = @transform_3, window_bounds = array<i64: 1, 128>}, {transform_indices = @transform_4, window_bounds = array<i64: 1000, 128>}]} {
    %get3A = arith.constant 0 : index
    %get3A_0 = arith.constant 0 : index
    %get3A_1 = vector.load %arg2[%get3A, %get3A_0] : memref<1000x128xf32, #tpu.memory_space<vmem>>, vector<1000x128xf32>
    %get3A_2 = arith.constant 0 : index
    %get3A_3 = arith.constant 0 : index
    %get3A_4 = vector.load %arg3[%get3A_2, %get3A_3] : memref<128x128xf32, #tpu.memory_space<vmem>>, vector<128x128xf32>
    %dot_general3A = arith.constant dense<0.000000e+00> : vector<1000x128xf32>
    %dot_general3A_5 = tpu.matmul %get3A_1, %get3A_4, %dot_general3A {dimension_numbers = #tpu.dot_dimension_numbers<[1], [0], [0], [1], [0, 0, 1, 1], [], []>, transpose_lhs_hint = false} : vector<1000x128xf32>, vector<128x128xf32>, vector<1000x128xf32> -> vector<1000x128xf32>
    %get3A_6 = arith.constant 0 : index
    %get3A_7 = arith.constant 0 : index
    %get3A_8 = vector.load %arg4[%get3A_6, %get3A_7] : memref<1x128xf32, #tpu.memory_space<vmem>>, vector<1x128xf32>
    %mul3A = vector.broadcast %get3A_8 : vector<1x128xf32> to vector<1000x128xf32>
    %mul3A_9 = arith.mulf %get3A_1, %mul3A : vector<1000x128xf32>
    %reduce_sum3A = arith.constant dense<0.000000e+00> : vector<1000xf32>
    %reduce_sum3A_10 = vector.multi_reduction <add>, %mul3A_9, %reduce_sum3A [1] : vector<1000x128xf32> to vector<1000xf32>
    %broadcast_in_dim3A = vector.shape_cast %reduce_sum3A_10 : vector<1000xf32> to vector<1000x1xf32>
    %neg3A = arith.constant 0.000000e+00 : f32
    %neg3A_11 = vector.broadcast %neg3A : f32 to vector<1000x1xf32>
    %neg3A_12 = arith.subf %neg3A_11, %broadcast_in_dim3A : vector<1000x1xf32>
    %exp3A = math.exp %neg3A_12 : vector<1000x1xf32>
    %add3A = arith.constant 1.000000e+00 : f32
    %add3A_13 = vector.broadcast %add3A : f32 to vector<1000x1xf32>
    %add3A_14 = arith.addf %add3A_13, %exp3A : vector<1000x1xf32>
    %div3A = arith.constant 1.000000e+00 : f32
    %div3A_15 = vector.broadcast %div3A : f32 to vector<1000x1xf32>
    %div3A_16 = arith.divf %div3A_15, %add3A_14 : vector<1000x1xf32>
    %get3A_17 = arith.constant 0 : index
    %get3A_18 = arith.constant 0 : index
    %get3A_19 = arith.constant 0 : index
    %get3A_20 = vector.load %arg1[%get3A_17, %get3A_18, %get3A_19] : memref<2x1000x128xf32, #tpu.memory_space<vmem>>, vector<1x1000x128xf32>
    %get3A_21 = vector.shape_cast %get3A_20 : vector<1x1000x128xf32> to vector<1000x128xf32>
    %get3A_22 = arith.constant 1 : index
    %get3A_23 = arith.constant 0 : index
    %get3A_24 = arith.constant 0 : index
    %get3A_25 = vector.load %arg1[%get3A_22, %get3A_23, %get3A_24] : memref<2x1000x128xf32, #tpu.memory_space<vmem>>, vector<1x1000x128xf32>
    %get3A_26 = vector.shape_cast %get3A_25 : vector<1x1000x128xf32> to vector<1000x128xf32>
    %add3A_27 = arith.addf %get3A_21, %get3A_26 : vector<1000x128xf32>
    %mul3A_28 = vector.broadcast %div3A_16 : vector<1000x1xf32> to vector<1000x128xf32>
    %mul3A_29 = arith.mulf %dot_general3A_5, %mul3A_28 : vector<1000x128xf32>
    %add3A_30 = arith.addf %add3A_27, %mul3A_29 : vector<1000x128xf32>
    %max3A = arith.constant 0.000000e+00 : f32
    %max3A_31 = vector.broadcast %max3A : f32 to vector<1000x128xf32>
    %max3A_32 = arith.maximumf %add3A_30, %max3A_31 : vector<1000x128xf32>
    %swap3A = arith.constant 0 : index
    %swap3A_33 = arith.constant 0 : index
    %swap3A_34 = vector.load %arg5[%swap3A, %swap3A_33] : memref<1000x128xf32, #tpu.memory_space<vmem>>, vector<1000x128xf32>
    tpu.vector_store %arg5[%swap3A, %swap3A_33], %max3A_32 {strides = array<i32>} : memref<1000x128xf32, #tpu.memory_space<vmem>>, vector<1000x128xf32>,
    return
  }
  func.func @transform_0(%arg0: i32) -> (i32, i32, i32) {
    %c0_i32 = arith.constant 0 : i32
    %c0_i32_0 = arith.constant 0 : i32
    %c0_i32_1 = arith.constant 0 : i32
    return %c0_i32, %arg0, %c0_i32_0 : i32, i32, i32
  }
  func.func @transform_1(%arg0: i32) -> (i32, i32) {
    %c0_i32 = arith.constant 0 : i32
    %c0_i32_0 = arith.constant 0 : i32
    return %arg0, %c0_i32 : i32, i32
  }
  func.func @transform_2(%arg0: i32) -> (i32, i32) {
    %c0_i32 = arith.constant 0 : i32
    %c0_i32_0 = arith.constant 0 : i32
    %c0_i32_1 = arith.constant 0 : i32
    return %c0_i32, %c0_i32_0 : i32, i32
  }
  func.func @transform_3(%arg0: i32) -> (i32, i32) {
    %c0_i32 = arith.constant 0 : i32
    %c0_i32_0 = arith.constant 0 : i32
    %c0_i32_1 = arith.constant 0 : i32
    return %c0_i32, %c0_i32_0 : i32, i32
  }
  func.func @transform_4(%arg0: i32) -> (i32, i32) {
    %c0_i32 = arith.constant 0 : i32
    %c0_i32_0 = arith.constant 0 : i32
    return %arg0, %c0_i32 : i32, i32
  }
}

</mosaic_0001>

<sc_bundles>
// kernel: _run.5.cloned.1.call-start
scs
__scs_entry_jumppad:
0x0: {  	(pc) =	sbr.rel $0x88, $3  }
0x1: {  	(tag) =	ssettag $0x0;
	lr =	simm.s32 $0x1  }
0x2: {  	[smem:$0x3F95] =	sst lr;
	_ =	strace $0xD0000000  }
0x3: {  	_ = 	snop  }
0x4: {  	_ = 	snop  }
0x5: {  	_ = 	snop  }
0x6: {  	_ = 	snop  }
0x7: {  	_ = 	snop  }
__scs_overlays_trampoline_lowered:
0x8: {  	[smem:$0x3FA4] =	sst s0  }
0x9: {  	[smem:$0x3FA5] =	sst s1  }
0xa: {  	[smem:$0x3FA6] =	sst s2  }
0xb: {  	[smem:$0x3FA7] =	sst s3  }
0xc: {  	[smem:$0x3FA8] =	sst s4  }
0xd: {  	[smem:$0x3FA9] =	sst s5  }
0xe: {  	[smem:$0x3FAA] =	sst s6  }
0xf: {  	[smem:$0x3FAB] =	sst s7  }
0x10: {  	[smem:$0x3FAC] =	sst s8  }
0x11: {  	[smem:$0x3FAD] =	sst s9;
	s0 =	simm.s32 @!p0 $0x0  }
0x12: {  	s1 =	sld [smem:$0x3F93];
	s0 =	simm.s32 @p0 $0x1  }
0x13: {  	[smem:$0x3FAE] =	sst s0;
	s0 =	simm.s32 @!p1 $0x0  }
0x14: {  	s2 =	sld [smem:$0x3F92];
	s0 =	simm.s32 @p1 $0x1  }
0x15: {  	[smem:$0x3FAF] =	sst s0;
	s0 =	simm.s32 @!p2 $0x0  }
0x16: {  	s3 =	sld [smem:$0x3FDB];
	s0 =	simm.s32 @p2 $0x1  }
0x17: {  	s4 =	simm.s32 $0x1BF5;
	[smem:$0x3FB1] =	sst s0  }
0x18: {  	s0 =	sld [smem:$0x3F94];
	_ =	swait.ge [sflag:s4], $0x0  }
0x19: {  	s7 =	sld [smem:$0x3F95]  }
0x1a: {  	s8 =	sadd.s32 $0xFFFFE003, lr  }
0x1b: {  	s9 =	sadd.s32 $0xFFFFFEF7, lr;
	s5 =	simm.s32 $0xFFFFFFFF;
	p2 =	slt.u32 s8, $0xFFFFF086  }
0x1c: {  	p1 =	slt.u32 s9, $0xF7A;
	s5 =	simm.s32 @!p2 $0x0  }
0x1d: {  	s5 =	simm.s32 @p1 $0x1;
	p0 =	seq.s32 s7, s2  }
0x1e: {  	s7 =	smul.u32 @!p0 $0xF7A, s2;
	p2 =	seq.s32 @!p0 s5, $0x0  }
0x1f: {  	s9 =	smul.u32 $0xF7A, s1;
	s8 =	simm.s32 @!p0 $0x1BF5;
	p2 =	por !p2, p0  }
0x20: {  	[sflag:s8] =	ssyncset.s32 @!p0 $0xFFFFF086;
	s6 =	sadd.s32 @!p0 s3, s7;
	s7 =	simm.s32 @!p0 $0x108  }
0x21: {  	s3 =	sadd.s32 s3, s9;
	s6 =	sadd.s32 @!p0 $0x88, s6;
	s7 =	simm.s32 @p2 $0x1082  }
0x22: {  	[simem:s7], [sflag:s8] =	dma.local @!p0 [hbm:s6], $0xF7A  }
0x23: {  	s9 =	sor.u32 $0xD0000000, s2;
	s6 =	simm.s32 $0x108;
	_ =	swait.ge @!p0 [sflag:s8], $0x0  }
0x24: {  	s3 =	sadd.s32 $0x88, s3;
	s6 =	simm.s32 @!p1 $0x1082;
	[sflag:s4] =	ssyncset.s32 $0xFFFFF086  }
0x25: {  	[simem:s6], [sflag:s4] =	dma.local [hbm:s3], $0xF7A  }
0x26: {  	[smem:$0x3F95] =	sst s1;
	(tag) =	ssettag s2;
	_ =	strace s9  }
0x27: {  	s1 =	sld [smem:$0x3FA5]  }
0x28: {  	s2 =	sld [smem:$0x3FA6]  }
0x29: {  	s4 =	sld [smem:$0x3FA8]  }
0x2a: {  	p0 =	seq.s32 s5, $0x0;
	s5 =	sld [smem:$0x3FA9]  }
0x2b: {  	s6 =	sld [smem:$0x3FAA]  }
0x2c: {  	s7 =	sld [smem:$0x3FAB]  }
0x2d: {  	s3 =	simm.s32 $0x108;
	s8 =	sld [smem:$0x3FAC]  }
0x2e: {  	s3 =	simm.s32 @!p0 $0x1082;
	s9 =	sld [smem:$0x3FAD]  }
0x2f: {  	lr =	sadd.s32 s0, s3;
	s0 =	sld [smem:$0x3FA4]  }
0x30: {  	s3 =	sld [smem:$0x3FA7]  }
0x31: {  	[smem:$0x3FB0] =	sst s10  }
0x32: {  	s10 =	sld [smem:$0x3FAE];
	_ =	sdelay $0x3  }
0x33: {  	p0 =	seq.s32 s10, $0x1;
	s10 =	sld [smem:$0x3FB0];
	_ =	sdelay $0x3  }
0x34: {  	[smem:$0x3FB0] =	sst s10  }
0x35: {  	s10 =	sld [smem:$0x3FAF];
	_ =	sdelay $0x3  }
0x36: {  	p1 =	seq.s32 s10, $0x1;
	s10 =	sld [smem:$0x3FB0];
	_ =	sdelay $0x3  }
0x37: {  	[smem:$0x3FB0] =	sst s10  }
0x38: {  	s10 =	sld [smem:$0x3FB1]  }
0x39: {  	_ = 	snop;
	(pc) =	sbr.ind lr, $3  }
0x3a: {  	_ = 	snop  }
0x3b: {  	_ = 	snop  }
0x3c: {  	p2 =	seq.s32 s10, $0x1;
	s10 =	sld [smem:$0x3FB0]  }
0x3d: {  	_ =	shalt  }
0x3e: {  	_ =	shalt  }
0x3f: {  	_ =	shalt  }
0x40: {  	_ =	shalt  }
0x41: {  	_ =	shalt  }
0x42: {  	_ =	shalt  }
0x43: {  	_ =	shalt  }
0x44: {  	_ =	shalt  }
0x45: {  	_ =	shalt  }
0x46: {  	_ =	shalt  }
0x47: {  	_ =	shalt  }
0x48: {  	_ =	shalt  }
0x49: {  	_ =	shalt  }
0x4a: {  	_ =	shalt  }
0x4b: {  	_ =	shalt  }
0x4c: {  	_ =	shalt  }
0x4d: {  	_ =	shalt  }
0x4e: {  	_ =	shalt  }
0x4f: {  	_ =	shalt  }
0x50: {  	_ =	shalt  }
0x51: {  	_ =	shalt  }
0x52: {  	_ =	shalt  }
0x53: {  	_ =	shalt  }
0x54: {  	_ =	shalt  }
0x55: {  	_ =	shalt  }
0x56: {  	_ =	shalt  }
0x57: {  	_ =	shalt  }
0x58: {  	_ =	shalt  }
0x59: {  	_ =	shalt  }
0x5a: {  	_ =	shalt  }
0x5b: {  	_ =	shalt  }
0x5c: {  	_ =	shalt  }
0x5d: {  	_ =	shalt  }
0x5e: {  	_ =	shalt  }
0x5f: {  	_ =	shalt  }
0x60: {  	_ =	shalt  }
0x61: {  	_ =	shalt  }
0x62: {  	_ =	shalt  }
0x63: {  	_ =	shalt  }
0x64: {  	_ =	shalt  }
0x65: {  	_ =	shalt  }
0x66: {  	_ =	shalt  }
0x67: {  	_ =	shalt  }
0x68: {  	_ =	shalt  }
0x69: {  	_ =	shalt  }
0x6a: {  	_ =	shalt  }
0x6b: {  	_ =	shalt  }
0x6c: {  	_ =	shalt  }
0x6d: {  	_ =	shalt  }
0x6e: {  	_ =	shalt  }
0x6f: {  	_ =	shalt  }
0x70: {  	_ =	shalt  }
0x71: {  	_ =	shalt  }
0x72: {  	_ =	shalt  }
0x73: {  	_ =	shalt  }
0x74: {  	_ =	shalt  }
0x75: {  	_ =	shalt  }
0x76: {  	_ =	shalt  }
0x77: {  	_ =	shalt  }
0x78: {  	_ =	shalt  }
0x79: {  	_ =	shalt  }
0x7a: {  	_ =	shalt  }
0x7b: {  	_ =	shalt  }
0x7c: {  	_ =	shalt  }
0x7d: {  	_ =	shalt  }
0x7e: {  	_ =	shalt  }
0x7f: {  	_ =	shalt  }
0x80: {  	_ =	shalt  }
0x81: {  	_ =	shalt  }
0x82: {  	_ =	shalt  }
0x83: {  	_ =	shalt  }
0x84: {  	_ =	shalt  }
0x85: {  	_ =	shalt  }
0x86: {  	_ =	shalt  }
0x87: {  	_ =	shalt  }
.Lfunc_end0:
.L_simem_size_0:
called_computation_lowered:
.L_overlay_start_0:
0x88: {  	s2 =	sld [smem:$0x3FD9]  }
0x89: {  	s3 =	sld [smem:$0x3FFE];
	_ =	sdelay $0x1  }
0x8a: {  	s1 =	srdreg.scid  }
0x8b: {  	s0 =	sand.u32 $0x1, s1  }
0x8c: {  	s17 =	sshll.u32 s0, $0xA;
	s2 =	sadd.s32 s3, s2  }
0x8d: {  	s2 =	sadd.s32 s2, s17  }
0x8e: {  	[smem:$0x3FBC] =	sst s2  }
0x8f: {  	_ = 	snop  }
0x90: {  	s2 =	sld [smem:$0x3FD0];
	(tm) =	ssettm $0x1  }
0x91: {  	s18 =	sld [smem:$0x3FFB];
	_ =	sdelay $0x3  }
0x92: {  	_ =	strace s18  }
0x93: {  	s3 =	sld [smem:$0x3FFC];
	_ =	sdelay $0x3  }
0x94: {  	_ =	strace s3  }
0x95: {  	s3 =	sld [smem:$0x3FFD];
	_ =	sdelay $0x3  }
0x96: {  	_ =	strace s3  }
0x97: {  	_ =	strace $0x8FFFFFFF  }
0x98: {  	s19 =	sld [smem:$0x3FDB];
	_ =	sdelay $0x1  }
0x99: {  	s4 =	simm.s32 $_scs_section_size  }
0x9a: {  	s5 =	simm.s32 $_size__tile_overlayer_lowered;
	s6 =	simm.s32 $_tile_overlayer_lowered  }
0x9b: {  	s22 =	simm.s32 $0x1BFF;
	s21 =	sshll.u32 s6, $0x1;
	s3 =	sadd.s32 s4, s19  }
0x9c: {  	s7 =	simm.s32 $0x0;
	s20 =	sshll.u32 s5, $0x1;
	s5 =	sadd.s32 s21, s3  }
0x9d: {  	[timem:s7], [sflag:s22] =	dma.local [hbm:s5], s20  }
0x9e: {  	_ =	swait.ge [sflag:s22], s20  }
0x9f: {  	s4 =	ssub.s32 $0x0, s20;
	[sflag:s22] =	ssyncset.done $0x0  }
0xa0: {  	[sflag:s22] =	ssyncadd.s32 s4;
	_ =	sdelay $0x1  }
0xa1: {  	s23 =	simm.s32 $0x1B8B  }
0xa2: {  	_ =	swait.ge [sflag:s23], $0x1  }
0xa3: {  	[sflag:s23] =	ssyncset.done $0x0  }
0xa4: {  	s25 =	simm.s32 $0x1B8E;
	s24 =	sld [smem:$0x3FFE];
	[sflag:s23] =	ssyncadd.s32 $0xFFFFFFFF  }
0xa5: {  	s26 =	simm.s32 $execute0_lowered;
	[smem:$0x3FD2] =	sst s25  }
0xa6: {  	s5 =	sshll.u32 s26, $0x1;
	_ =	strace $0x80000046;
	[dreg:$0x1] =	wrdreg $0xFFFFFFFF  }
0xa7: {  	s28 =	simm.s32 $_size_execute0_lowered;
	s3 =	sadd.s32 s3, s5;
	[dreg:$0x0] =	wrdreg $0x0  }
0xa8: {  	s5 =	sshll.u32 s28, $0x1;
	[dreg:$0x2] =	wrdreg s3  }
0xa9: {  	[dreg:$0x3] =	wrdreg s5  }
0xaa: {  	[dreg:$0x4] =	wrdreg $0xC0  }
0xab: {  	_ =	task [dreg:s7], $0x5FFFF  }
0xac: {  	[dreg:$0x1] =	wrdreg $0xFFFFFFFF  }
0xad: {  	[dreg:$0x0] =	wrdreg $0x60  }
0xae: {  	[dreg:$0x2] =	wrdreg s24  }
0xaf: {  	[dreg:$0x3] =	wrdreg s2  }
0xb0: {  	[dreg:$0x4] =	wrdreg $0x84000  }
0xb1: {  	[dreg:$0x5] =	wrdreg $0x9  }
0xb2: {  	_ =	task.clear_ibuf [dreg:s7], $0x6FFFF;
	_ =	strace $0x90000046  }
0xb3: {  	s29 =	simm.s32 $0x9;
	_ =	strace $0x80000048  }
0xb4: {  	_ =	swait.ge [sflag:s29], $0x1  }
0xb5: {  	[sflag:s29] =	ssyncadd.s32 $0xFFFFFFFF  }
0xb6: {  	_ =	strace $0x90000048  }
0xb7: {  	_ =	sfence  }
0xb8: {  	s30 =	sld [smem:$0x0];
	_ =	sdelay $0x2  }
0xb9: {  	s31 =	sshll.u32 s1, $0xD;
	s1 =	sshrl.u32 s1, $0x2  }
0xba: {  	s3 =	sand.u32 $0x4000, s31;
	s1 =	sadd.s32 s1, s30  }
0xbb: {  	s0 =	sor.u32 s3, s0;
	s1 =	sshll.u32 s1, $0x11  }
0xbc: {  	s0 =	sor.u32 s1, s0  }
0xbd: {  	s0 =	sadd.s32 $0x8F2B, s0  }
0xbe: {  	[sflag:s0] =	ssyncadd.remote.s32 $0x1  }
0xbf: {  	_ =	sfence.sel $0xFFFF  }
0xc0: {  	[dreg:$0x0] =	wrdreg $0xFFFFFFFF;
	(pc) =	sbr.abs _section_cstart, $3  }
0xc1: {  	[dreg:$0x1] =	wrdreg $0xFFFFFFFF  }
0xc2: {  	_ =	task.clear_ibuf [dreg:s7], $0x2FFFF;
	_ =	strace $0x9FFFFFFF  }
0xc3: {  	(tm) =	ssettm $0x7FFFFFFF  }
tec
execute0_lowered:
.L_overlay_start_1:
0x0: {  	(tag) =	ssettag $0x1  }
0x1: {  	s0 =	rddreg [dreg:$0x0]  }
0x2: {  	s2 =	rddreg [dreg:$0x1];
	s1 =	srdreg.scid  }
0x3: {  	s3 =	rddreg [dreg:$0x2];
	s11 =	stileid.u32  }
0x4: {  	s4 =	simm.s32 $0x0;
	s28 =	simm.s32 $0x200;
	s6 =	smul.u32 $0x14000, s11  }
0x5: {  	s29 =	simm.s32 $0x280;
	s1 =	sand.u32 $0x1, s1;
	s8 =	smul.u32 $0x50000, s11  }
0x6: {  	s30 =	simm.s32 $0x300;
	[smem:$0x7FF] =	sst s4;
	s5 =	smul.u32 $0x140000, s1  }
0x7: {  	_ =	strace $0x80000047;
	s10 =	sshll.u32 s1, $0x4;
	s9 =	ssub.s32 $0x2, s1  }
0x8: {  	s1 =	smul.u32 $0xA000, s1;
	s10 =	sor.u32 s11, s10;
	s12 =	sshrl.u32 s8, $0x2  }
0x9: {  	s13 =	sshrl.u32 s9, $0x1;
	s11 =	smul.u32 $0xA00, s11;
	s6 =	sadd.s32 s6, s5  }
0xa: {  	s5 =	sadd.s32 $0x15A00, s0;
	s10 =	smul.u32 $0xA00, s10;
	s8 =	ssub.s32 s9, s13  }
0xb: {  	s7 =	sshrl.u32 s6, $0x3;
	s6 =	sadd.s32 $0x1A00, s0;
	s25 =	smax.u32 s8, $0x1  }
0xc: {  	s26 =	sadd.s32 s11, s1;
	s0 =	sadd.s32 s7, s0;
	[dreg:$0x12] =	wrdreg s25  }
0xd: {  	s7 =	sadd.s32 s12, s3;
	s12 =	sadd.s32 s6, s10;
	[dreg:$0x4] =	wrdreg s26  }
0xe: {  	s31 =	simm.s32 $0x380;
	s19 =	sadd.s32 s2, s10;
	[dreg:$0x9] =	wrdreg s12  }
0xf: {  	s13 =	simm.s32 $0x0;
	s14 =	sadd.s32 $0x4000, s7;
	[dreg:$0xa] =	wrdreg s19  }
0x10: {  	s1 =	simm.s32 $0x4;
	s15 =	sadd.s32 $0x8000, s7;
	[dreg:$0x5] =	wrdreg s14  }
0x11: {  	s8 =	simm.s32 $0x4400;
	s16 =	sadd.s32 $0xC000, s7;
	[dreg:$0x6] =	wrdreg s15  }
0x12: {  	s18 =	sor.u32 $0x10, s10;
	s17 =	sadd.s32 $0x10000, s7;
	[dreg:$0x7] =	wrdreg s16  }
0x13: {  	s11 =	simm.s32 $0x5;
	s20 =	sadd.s32 s6, s18;
	[dreg:$0x8] =	wrdreg s17  }
0x14: {  	s21 =	sor.u32 $0x20, s10;
	s9 =	sadd.s32 s2, s18;
	[dreg:$0xb] =	wrdreg s20  }
0x15: {  	s10 =	sor.u32 $0x30, s10;
	s22 =	sadd.s32 s6, s21;
	[dreg:$0xc] =	wrdreg s9  }
0x16: {  	s25 =	simm.s32 $0x100;
	s23 =	sadd.s32 s6, s10;
	[dreg:$0xd] =	wrdreg s22  }
0x17: {  	s26 =	simm.s32 $0x180;
	s24 =	sadd.s32 s2, s10;
	[dreg:$0xf] =	wrdreg s23  }
0x18: {  	s0 =	sadd.s32 $0x63C00, s0;
	s10 =	simm.s32 $0x2;
	[dreg:$0x10] =	wrdreg s24  }
0x19: {  	s12 =	simm.s32 $0x6;
	s9 =	sadd.s32 s2, s21;
	[dreg:$0x11] =	wrdreg s0  }
0x1a: {  	s22 =	simm.s32 $0x400;
	s23 =	simm.s32 $0x7;
	s24 =	simm.s32 $0x80  }
0x1b: {  	v0 =	vimm.f32 $0.0e+00;
	s0 =	simm.s32 $0x3;
	[dreg:$0xe] =	wrdreg s9;
	s9 =	simm.s32 $0x1  }
.LBB2_1:
0x1c: {  	s14 =	sand.u32 $0xFE00, s4  }
0x1d: {  	s15 =	sand.u32 $0x70, s4;
	s16 =	sshrl.u32 s14, $0x2  }
0x1e: {  	s14 =	simm.s32 $0x40;
	s16 =	sor.u32 s15, s16;
	s15 =	simm.s32 $0x0  }
.LBB2_2:
0x1f: {  	p0 =	sne.s32 s14, $0xFFC0  }
0x20: {  	[tilespmem:s16+$0x400] =	vst v0;
	s15 =	sadd.s32 $0x10, s15;
	s16 =	smov.u32 s14;
	s14 =	sadd.s32 $0x40, s14  }
.Ltmp0:
0x21: {  	(pc) =	sbr.rel @p0 .LBB2_2-.Ltmp0, $4  }
0x22: {  	_ = 	snop  }
0x23: {  	s16 =	sand.u32 $0xFE00, s16  }
0x24: {  	s17 =	sand.u32 $0x70, s15;
	s16 =	sshrl.u32 s16, $0x2  }
0x25: {  	s16 =	sor.u32 s17, s16  }
0x26: {  	[tilespmem:s16+$0x400] =	vst v0  }
0x27: {  	[spmem:s7] =	stream.linear.scatter [tilespmem:s22], [sflag:$0x7], $0x4000, $0x38;
	[tilespmem:$0x1C400] =	vst v63  }
0x28: {  	_ =	swait.ge [sflag:s23], $0x4000  }
0x29: {  	[sflag:s23] =	ssyncset.done $0x0  }
0x2a: {  	s14 =	rddreg [dreg:$0x5];
	[sflag:s23] =	ssyncadd.s32 $0xFFFFC000  }
0x2b: {  	[spmem:s14] =	stream.linear.scatter [tilespmem:s22], [sflag:$0x7], $0x4000, $0x38;
	[tilespmem:$0x1C400] =	vst v63  }
0x2c: {  	_ =	swait.ge [sflag:s23], $0x4000  }
0x2d: {  	[sflag:s23] =	ssyncset.done $0x0  }
0x2e: {  	s21 =	rddreg [dreg:$0x6];
	[sflag:s23] =	ssyncadd.s32 $0xFFFFC000  }
0x2f: {  	[spmem:s21] =	stream.linear.scatter [tilespmem:s22], [sflag:$0x7], $0x4000, $0x38;
	[tilespmem:$0x1C400] =	vst v63  }
0x30: {  	_ =	swait.ge [sflag:s23], $0x4000  }
0x31: {  	[sflag:s23] =	ssyncset.done $0x0  }
0x32: {  	s15 =	rddreg [dreg:$0x7];
	[sflag:s23] =	ssyncadd.s32 $0xFFFFC000  }
0x33: {  	[spmem:s15] =	stream.linear.scatter [tilespmem:s22], [sflag:$0x7], $0x4000, $0x38;
	[tilespmem:$0x1C400] =	vst v63  }
0x34: {  	_ =	swait.ge [sflag:s23], $0x4000  }
0x35: {  	[sflag:s23] =	ssyncset.done $0x0  }
0x36: {  	s16 =	rddreg [dreg:$0x8];
	[sflag:s23] =	ssyncadd.s32 $0xFFFFC000  }
0x37: {  	[spmem:s16] =	stream.linear.scatter [tilespmem:s22], [sflag:$0x7], $0x4000, $0x38;
	[tilespmem:$0x1C400] =	vst v63  }
0x38: {  	_ =	swait.ge [sflag:s23], $0x4000  }
0x39: {  	[sflag:s23] =	ssyncset.done $0x0  }
0x3a: {  	[sflag:s23] =	ssyncadd.s32 $0xFFFFC000  }
0x3b: {  	[bflag:$0x0] =	sbarrier.arrive $0xFFFF  }
0x3c: {  	s17 =	rddreg [dreg:$0x9]  }
0x3d: {  	[tilespmem:s4], [sflag:$0x3] =	stream.linear.gather [hbm4b:s17+s4], $0x80, $0x38;
	[tilespmem:$0x1C400] =	vst v63  }
0x3e: {  	s18 =	rddreg [dreg:$0xa]  }
0x3f: {  	[tilespmem:s24], [sflag:$0x3] =	stream.linear.gather [hbm4b:s18+s4], $0x80, $0x38;
	[tilespmem:$0x1C400] =	vst v63  }
0x40: {  	s19 =	rddreg [dreg:$0xb]  }
0x41: {  	[tilespmem:s25], [sflag:$0x4] =	stream.linear.gather [hbm4b:s19+s4], $0x80, $0x38;
	[tilespmem:$0x1C400] =	vst v63  }
0x42: {  	s20 =	rddreg [dreg:$0xc]  }
0x43: {  	[tilespmem:s26], [sflag:$0x4] =	stream.linear.gather [hbm4b:s20+s4], $0x80, $0x38;
	[tilespmem:$0x1C400] =	vst v63  }
0x44: {  	s21 =	rddreg [dreg:$0xd]  }
0x45: {  	[tilespmem:s28], [sflag:$0x5] =	stream.linear.gather [hbm4b:s21+s4], $0x80, $0x38;
	[tilespmem:$0x1C400] =	vst v63  }
0x46: {  	s15 =	rddreg [dreg:$0xe]  }
0x47: {  	[tilespmem:s29], [sflag:$0x5] =	stream.linear.gather [hbm4b:s15+s4], $0x80, $0x38;
	[tilespmem:$0x1C400] =	vst v63  }
0x48: {  	s16 =	rddreg [dreg:$0xf]  }
0x49: {  	[tilespmem:s30], [sflag:$0x6] =	stream.linear.gather [hbm4b:s16+s4], $0x80, $0x38;
	[tilespmem:$0x1C400] =	vst v63  }
0x4a: {  	s17 =	rddreg [dreg:$0x10]  }
0x4b: {  	[tilespmem:s31], [sflag:$0x6] =	stream.linear.gather [hbm4b:s17+s4], $0x80, $0x38;
	[tilespmem:$0x1C400] =	vst v63  }
0x4c: {  	_ =	swait.ge [sflag:s0], $0x80  }
0x4d: {  	[sflag:s0] =	ssyncset.done $0x0  }
0x4e: {  	[sflag:s0] =	ssyncadd.s32 $0xFFFFFF80  }
0x4f: {  	_ =	swait.ge [sflag:s0], $0x80  }
0x50: {  	[sflag:s0] =	ssyncset.done $0x0  }
0x51: {  	[sflag:s0] =	ssyncadd.s32 $0xFFFFFF80  }
0x52: {  	_ =	swait.ge [sflag:s1], $0x80  }
0x53: {  	[sflag:s1] =	ssyncset.done $0x0  }
0x54: {  	[sflag:s1] =	ssyncadd.s32 $0xFFFFFF80  }
0x55: {  	_ =	swait.ge [sflag:s1], $0x80  }
0x56: {  	[sflag:s1] =	ssyncset.done $0x0  }
0x57: {  	[sflag:s1] =	ssyncadd.s32 $0xFFFFFF80  }
0x58: {  	[tilespmem:s22], [sflag:$0x1] =	stream.indirect.gather [hbm4b:s5+s24], $0x80, s4, s24, $0xb8;
	[tilespmem:$0x1C400] =	vst v63  }
0x59: {  	_ = 	snop  }
0x5a: {  	[tilespmem:s8], [sflag:$0x1] =	stream.indirect.gather [hbm4b:s5+s24], $0x80, s25, s24, $0xb8;
	[tilespmem:$0x1C400] =	vst v63  }
0x5b: {  	_ =	swait.ge [sflag:s9], $0x4000  }
0x5c: {  	[sflag:s9] =	ssyncset.done $0x0  }
0x5d: {  	[sflag:s9] =	ssyncadd.s32 $0xFFFFC000  }
0x5e: {  	_ =	swait.ge [sflag:s9], $0x4000  }
0x5f: {  	[sflag:s9] =	ssyncset.done $0x0  }
0x60: {  	[sflag:s9] =	ssyncadd.s32 $0xFFFFC000  }
0x61: {  	[spmem:s3] =	stream.indirect.scatter.add.f32 [tilespmem:s22], [sflag:$0x2], $0x80, s24, s24, $0xb8;
	[tilespmem:$0x1C400] =	vst v63  }
0x62: {  	_ = 	snop  }
0x63: {  	[spmem:s3] =	stream.indirect.scatter.add.f32 [tilespmem:s8], [sflag:$0x2], $0x80, s26, s24, $0xb8;
	[tilespmem:$0x1C400] =	vst v63  }
0x64: {  	_ =	swait.ge [sflag:s10], $0x4000  }
0x65: {  	[sflag:s10] =	ssyncset.done $0x0  }
0x66: {  	[sflag:s10] =	ssyncadd.s32 $0xFFFFC000  }
0x67: {  	_ =	swait.ge [sflag:s10], $0x4000  }
0x68: {  	s18 =	rddreg [dreg:$0x4]  }
0x69: {  	s14 =	sadd.s32 $0x70, s18  }
0x6a: {  	s15 =	simm.s32 $0x40;
	s19 =	sadd.s32 $0xFFFFFFD0, s14  }
0x6b: {  	s15 =	sand.u32 $0x40, s15;
	s16 =	sand.u32 $0xFFFFF80, s19  }
0x6c: {  	s20 =	simm.s32 $0x50;
	[sflag:s10] =	ssyncset.done $0x0;
	s15 =	sor.u32 s15, s16  }
0x6d: {  	[sflag:s10] =	ssyncadd.s32 $0xFFFFC000;
	s17 =	sadd.s32 $0xFFFFFFE0, s14;
	s16 =	sadd.s32 s6, s15  }
0x6e: {  	[tilespmem:s4], [sflag:$0x3] =	stream.linear.gather [hbm4b:s16+s4], $0x80, $0x38;
	[tilespmem:$0x1C400] =	vst v63  }
0x6f: {  	s17 =	sand.u32 $0xFFFFF80, s17;
	s16 =	sand.u32 $0x50, s20  }
0x70: {  	s15 =	sadd.s32 s2, s15;
	s16 =	sor.u32 s16, s17  }
0x71: {  	[tilespmem:s24], [sflag:$0x3] =	stream.linear.gather [hbm4b:s15+s4], $0x80, $0x38;
	[tilespmem:$0x1C400] =	vst v63  }
0x72: {  	s21 =	sadd.s32 s6, s16  }
0x73: {  	[tilespmem:s25], [sflag:$0x4] =	stream.linear.gather [hbm4b:s21+s4], $0x80, $0x38;
	[tilespmem:$0x1C400] =	vst v63  }
0x74: {  	s16 =	sadd.s32 s2, s16  }
0x75: {  	[tilespmem:s26], [sflag:$0x4] =	stream.linear.gather [hbm4b:s16+s4], $0x80, $0x38;
	[tilespmem:$0x1C400] =	vst v63  }
0x76: {  	_ =	swait.ge [sflag:s11], $0x80  }
0x77: {  	[sflag:s11] =	ssyncset.done $0x0  }
0x78: {  	[sflag:s11] =	ssyncadd.s32 $0xFFFFFF80  }
0x79: {  	_ =	swait.ge [sflag:s11], $0x80  }
0x7a: {  	[sflag:s11] =	ssyncset.done $0x0  }
0x7b: {  	[sflag:s11] =	ssyncadd.s32 $0xFFFFFF80  }
0x7c: {  	_ =	swait.ge [sflag:s12], $0x80  }
0x7d: {  	[sflag:s12] =	ssyncset.done $0x0  }
0x7e: {  	[sflag:s12] =	ssyncadd.s32 $0xFFFFFF80  }
0x7f: {  	_ =	swait.ge [sflag:s12], $0x80  }
0x80: {  	[sflag:s12] =	ssyncset.done $0x0  }
0x81: {  	[sflag:s12] =	ssyncadd.s32 $0xFFFFFF80  }
0x82: {  	[tilespmem:s22], [sflag:$0x1] =	stream.indirect.gather [hbm4b:s5+s24], $0x80, s28, s24, $0xb8;
	[tilespmem:$0x1C400] =	vst v63  }
0x83: {  	_ = 	snop  }
0x84: {  	[tilespmem:s8], [sflag:$0x1] =	stream.indirect.gather [hbm4b:s5+s24], $0x80, s30, s24, $0xb8;
	[tilespmem:$0x1C400] =	vst v63  }
0x85: {  	_ =	swait.ge [sflag:s9], $0x4000  }
0x86: {  	[sflag:s9] =	ssyncset.done $0x0  }
0x87: {  	[sflag:s9] =	ssyncadd.s32 $0xFFFFC000  }
0x88: {  	_ =	swait.ge [sflag:s9], $0x4000  }
0x89: {  	[sflag:s9] =	ssyncset.done $0x0  }
0x8a: {  	[sflag:s9] =	ssyncadd.s32 $0xFFFFC000  }
0x8b: {  	[spmem:s3] =	stream.indirect.scatter.add.f32 [tilespmem:s22], [sflag:$0x2], $0x80, s29, s24, $0xb8;
	[tilespmem:$0x1C400] =	vst v63  }
0x8c: {  	_ = 	snop  }
0x8d: {  	[spmem:s3] =	stream.indirect.scatter.add.f32 [tilespmem:s8], [sflag:$0x2], $0x80, s31, s24, $0xb8;
	[tilespmem:$0x1C400] =	vst v63  }
0x8e: {  	_ =	swait.ge [sflag:s10], $0x4000  }
0x8f: {  	[sflag:s10] =	ssyncset.done $0x0  }
0x90: {  	s18 =	sadd.s32 $0xFFFFFFF0, s14;
	s17 =	simm.s32 $0x60;
	[sflag:s10] =	ssyncadd.s32 $0xFFFFC000  }
0x91: {  	s15 =	sand.u32 $0x60, s17;
	s16 =	sand.u32 $0xFFFFF80, s18;
	_ =	swait.ge [sflag:s10], $0x4000  }
0x92: {  	s15 =	sor.u32 s15, s16;
	[sflag:s10] =	ssyncset.done $0x0  }
0x93: {  	s19 =	simm.s32 $0x70;
	s16 =	sadd.s32 s6, s15;
	[sflag:s10] =	ssyncadd.s32 $0xFFFFC000  }
0x94: {  	[tilespmem:s28], [sflag:$0x5] =	stream.linear.gather [hbm4b:s16+s4], $0x80, $0x38;
	[tilespmem:$0x1C400] =	vst v63  }
0x95: {  	s14 =	sand.u32 $0xFFFFF80, s14;
	s16 =	sand.u32 $0x70, s19  }
0x96: {  	s20 =	sadd.s32 s2, s15;
	s16 =	sor.u32 s16, s14  }
0x97: {  	[tilespmem:s29], [sflag:$0x5] =	stream.linear.gather [hbm4b:s20+s4], $0x80, $0x38;
	[tilespmem:$0x1C400] =	vst v63  }
0x98: {  	s14 =	simm.s32 $0xB0;
	s21 =	sadd.s32 s6, s16;
	s15 =	sadd.s32 s2, s16  }
0x99: {  	[tilespmem:s30], [sflag:$0x6] =	stream.linear.gather [hbm4b:s21+s4], $0x80, $0x38;
	[tilespmem:$0x1C400] =	vst v63  }
.LBB2_4:
0x9a: {  	[tilespmem:s31], [sflag:$0x6] =	stream.linear.gather [hbm4b:s15+s4], $0x80, $0x38;
	[tilespmem:$0x1C400] =	vst v63  }
0x9b: {  	_ =	swait.ge [sflag:s0], $0x80  }
0x9c: {  	[sflag:s0] =	ssyncset.done $0x0  }
0x9d: {  	[sflag:s0] =	ssyncadd.s32 $0xFFFFFF80  }
0x9e: {  	_ =	swait.ge [sflag:s0], $0x80  }
0x9f: {  	[sflag:s0] =	ssyncset.done $0x0  }
0xa0: {  	[sflag:s0] =	ssyncadd.s32 $0xFFFFFF80  }
0xa1: {  	_ =	swait.ge [sflag:s1], $0x80  }
0xa2: {  	[sflag:s1] =	ssyncset.done $0x0  }
0xa3: {  	[sflag:s1] =	ssyncadd.s32 $0xFFFFFF80  }
0xa4: {  	_ =	swait.ge [sflag:s1], $0x80  }
0xa5: {  	[sflag:s1] =	ssyncset.done $0x0  }
0xa6: {  	[sflag:s1] =	ssyncadd.s32 $0xFFFFFF80  }
0xa7: {  	[tilespmem:s22], [sflag:$0x1] =	stream.indirect.gather [hbm4b:s5+s24], $0x80, s4, s24, $0xb8;
	[tilespmem:$0x1C400] =	vst v63  }
0xa8: {  	_ = 	snop  }
0xa9: {  	[tilespmem:s8], [sflag:$0x1] =	stream.indirect.gather [hbm4b:s5+s24], $0x80, s25, s24, $0xb8;
	[tilespmem:$0x1C400] =	vst v63  }
0xaa: {  	_ =	swait.ge [sflag:s9], $0x4000  }
0xab: {  	[sflag:s9] =	ssyncset.done $0x0  }
0xac: {  	[sflag:s9] =	ssyncadd.s32 $0xFFFFC000  }
0xad: {  	_ =	swait.ge [sflag:s9], $0x4000  }
0xae: {  	[sflag:s9] =	ssyncset.done $0x0  }
0xaf: {  	[sflag:s9] =	ssyncadd.s32 $0xFFFFC000  }
0xb0: {  	[spmem:s3] =	stream.indirect.scatter.add.f32 [tilespmem:s22], [sflag:$0x2], $0x80, s24, s24, $0xb8;
	[tilespmem:$0x1C400] =	vst v63  }
0xb1: {  	_ = 	snop  }
0xb2: {  	[spmem:s3] =	stream.indirect.scatter.add.f32 [tilespmem:s8], [sflag:$0x2], $0x80, s26, s24, $0xb8;
	[tilespmem:$0x1C400] =	vst v63  }
0xb3: {  	_ =	swait.ge [sflag:s10], $0x4000  }
0xb4: {  	[sflag:s10] =	ssyncset.done $0x0  }
0xb5: {  	[sflag:s10] =	ssyncadd.s32 $0xFFFFC000  }
0xb6: {  	_ =	swait.ge [sflag:s10], $0x4000  }
0xb7: {  	s15 =	smov.u32 s14;
	s16 =	rddreg [dreg:$0x4]  }
0xb8: {  	s17 =	sadd.s32 $0xFFFFFFD0, s15;
	s16 =	sadd.s32 s15, s16  }
0xb9: {  	s18 =	sadd.s32 $0xFFFFFFF0, s15;
	s19 =	sadd.s32 $0xFFFFFFE0, s15;
	s20 =	sadd.s32 $0xFFFFFFD0, s16  }
0xba: {  	s19 =	sand.u32 $0x50, s19;
	s17 =	sand.u32 $0x40, s17;
	s20 =	sand.u32 $0xFFFFF80, s20  }
0xbb: {  	[sflag:s10] =	ssyncset.done $0x0;
	s21 =	sadd.s32 $0xFFFFFFE0, s16;
	s17 =	sor.u32 s17, s20  }
0xbc: {  	[sflag:s10] =	ssyncadd.s32 $0xFFFFC000;
	s21 =	sand.u32 $0xFFFFF80, s21;
	s20 =	sadd.s32 s6, s17  }
0xbd: {  	[tilespmem:s4], [sflag:$0x3] =	stream.linear.gather [hbm4b:s20+s4], $0x80, $0x38;
	[tilespmem:$0x1C400] =	vst v63  }
0xbe: {  	s19 =	sor.u32 s19, s21;
	s21 =	sadd.s32 $0xFFFFFFF0, s16;
	s17 =	sadd.s32 s2, s17  }
0xbf: {  	[tilespmem:s24], [sflag:$0x3] =	stream.linear.gather [hbm4b:s17+s4], $0x80, $0x38;
	[tilespmem:$0x1C400] =	vst v63  }
0xc0: {  	s18 =	sand.u32 $0x60, s18;
	s20 =	sand.u32 $0xFFFFF80, s21;
	s21 =	sadd.s32 s6, s19  }
0xc1: {  	[tilespmem:s25], [sflag:$0x4] =	stream.linear.gather [hbm4b:s21+s4], $0x80, $0x38;
	[tilespmem:$0x1C400] =	vst v63  }
0xc2: {  	s17 =	sor.u32 s18, s20;
	s20 =	sadd.s32 s2, s19  }
0xc3: {  	[tilespmem:s26], [sflag:$0x4] =	stream.linear.gather [hbm4b:s20+s4], $0x80, $0x38;
	[tilespmem:$0x1C400] =	vst v63  }
0xc4: {  	_ =	swait.ge [sflag:s11], $0x80  }
0xc5: {  	[sflag:s11] =	ssyncset.done $0x0  }
0xc6: {  	[sflag:s11] =	ssyncadd.s32 $0xFFFFFF80  }
0xc7: {  	_ =	swait.ge [sflag:s11], $0x80  }
0xc8: {  	[sflag:s11] =	ssyncset.done $0x0  }
0xc9: {  	[sflag:s11] =	ssyncadd.s32 $0xFFFFFF80  }
0xca: {  	_ =	swait.ge [sflag:s12], $0x80  }
0xcb: {  	[sflag:s12] =	ssyncset.done $0x0  }
0xcc: {  	[sflag:s12] =	ssyncadd.s32 $0xFFFFFF80  }
0xcd: {  	_ =	swait.ge [sflag:s12], $0x80  }
0xce: {  	[sflag:s12] =	ssyncset.done $0x0  }
0xcf: {  	[sflag:s12] =	ssyncadd.s32 $0xFFFFFF80  }
0xd0: {  	[tilespmem:s22], [sflag:$0x1] =	stream.indirect.gather [hbm4b:s5+s24], $0x80, s28, s24, $0xb8;
	[tilespmem:$0x1C400] =	vst v63  }
0xd1: {  	_ = 	snop  }
0xd2: {  	[tilespmem:s8], [sflag:$0x1] =	stream.indirect.gather [hbm4b:s5+s24], $0x80, s30, s24, $0xb8;
	[tilespmem:$0x1C400] =	vst v63  }
0xd3: {  	_ =	swait.ge [sflag:s9], $0x4000  }
0xd4: {  	[sflag:s9] =	ssyncset.done $0x0  }
0xd5: {  	[sflag:s9] =	ssyncadd.s32 $0xFFFFC000  }
0xd6: {  	_ =	swait.ge [sflag:s9], $0x4000  }
0xd7: {  	[sflag:s9] =	ssyncset.done $0x0  }
0xd8: {  	[sflag:s9] =	ssyncadd.s32 $0xFFFFC000  }
0xd9: {  	[spmem:s3] =	stream.indirect.scatter.add.f32 [tilespmem:s22], [sflag:$0x2], $0x80, s29, s24, $0xb8;
	[tilespmem:$0x1C400] =	vst v63  }
0xda: {  	_ = 	snop  }
0xdb: {  	[spmem:s3] =	stream.indirect.scatter.add.f32 [tilespmem:s8], [sflag:$0x2], $0x80, s31, s24, $0xb8;
	[tilespmem:$0x1C400] =	vst v63  }
0xdc: {  	_ =	swait.ge [sflag:s10], $0x4000  }
0xdd: {  	[sflag:s10] =	ssyncset.done $0x0  }
0xde: {  	[sflag:s10] =	ssyncadd.s32 $0xFFFFC000  }
0xdf: {  	_ =	swait.ge [sflag:s10], $0x4000  }
0xe0: {  	[sflag:s10] =	ssyncset.done $0x0  }
0xe1: {  	p0 =	sne.s32 s14, $0x9F0;
	s21 =	sadd.s32 s6, s17;
	[sflag:s10] =	ssyncadd.s32 $0xFFFFC000  }
0xe2: {  	[tilespmem:s28], [sflag:$0x5] =	stream.linear.gather [hbm4b:s21+s4], $0x80, $0x38;
	[tilespmem:$0x1C400] =	vst v63  }
.Ltmp1:
0xe3: {  	s15 =	sand.u32 $0x70, s15;
	s16 =	sand.u32 $0xFFFFF80, s16;
	(pc) =	sbr.rel @p0 .LBB2_4-.Ltmp1, $4  }
0xe4: {  	s15 =	sor.u32 s15, s16;
	s17 =	sadd.s32 s2, s17  }
0xe5: {  	[tilespmem:s29], [sflag:$0x5] =	stream.linear.gather [hbm4b:s17+s4], $0x80, $0x38;
	[tilespmem:$0x1C400] =	vst v63  }
0xe6: {  	s14 =	sadd.s32 $0x40, s14;
	s16 =	sadd.s32 s6, s15;
	s15 =	sadd.s32 s2, s15  }
0xe7: {  	[tilespmem:s30], [sflag:$0x6] =	stream.linear.gather [hbm4b:s16+s4], $0x80, $0x38;
	[tilespmem:$0x1C400] =	vst v63  }
0xe8: {  	[tilespmem:s31], [sflag:$0x6] =	stream.linear.gather [hbm4b:s15+s4], $0x80, $0x38;
	[tilespmem:$0x1C400] =	vst v63  }
0xe9: {  	_ =	swait.ge [sflag:s0], $0x80  }
0xea: {  	[sflag:s0] =	ssyncset.done $0x0  }
0xeb: {  	[sflag:s0] =	ssyncadd.s32 $0xFFFFFF80  }
0xec: {  	_ =	swait.ge [sflag:s0], $0x80  }
0xed: {  	[sflag:s0] =	ssyncset.done $0x0  }
0xee: {  	[sflag:s0] =	ssyncadd.s32 $0xFFFFFF80  }
0xef: {  	_ =	swait.ge [sflag:s1], $0x80  }
0xf0: {  	[sflag:s1] =	ssyncset.done $0x0  }
0xf1: {  	[sflag:s1] =	ssyncadd.s32 $0xFFFFFF80  }
0xf2: {  	_ =	swait.ge [sflag:s1], $0x80  }
0xf3: {  	[sflag:s1] =	ssyncset.done $0x0  }
0xf4: {  	[sflag:s1] =	ssyncadd.s32 $0xFFFFFF80  }
0xf5: {  	[tilespmem:s22], [sflag:$0x1] =	stream.indirect.gather [hbm4b:s5+s24], $0x80, s4, s24, $0xb8;
	[tilespmem:$0x1C400] =	vst v63  }
0xf6: {  	_ = 	snop  }
0xf7: {  	[tilespmem:s8], [sflag:$0x1] =	stream.indirect.gather [hbm4b:s5+s24], $0x80, s25, s24, $0xb8;
	[tilespmem:$0x1C400] =	vst v63  }
0xf8: {  	_ =	swait.ge [sflag:s9], $0x4000  }
0xf9: {  	[sflag:s9] =	ssyncset.done $0x0  }
0xfa: {  	[sflag:s9] =	ssyncadd.s32 $0xFFFFC000  }
0xfb: {  	_ =	swait.ge [sflag:s9], $0x4000  }
0xfc: {  	[sflag:s9] =	ssyncset.done $0x0  }
0xfd: {  	[sflag:s9] =	ssyncadd.s32 $0xFFFFC000  }
0xfe: {  	[spmem:s3] =	stream.indirect.scatter.add.f32 [tilespmem:s22], [sflag:$0x2], $0x80, s24, s24, $0xb8;
	[tilespmem:$0x1C400] =	vst v63  }
0xff: {  	_ = 	snop  }
0x100: {  	[spmem:s3] =	stream.indirect.scatter.add.f32 [tilespmem:s8], [sflag:$0x2], $0x80, s26, s24, $0xb8;
	[tilespmem:$0x1C400] =	vst v63  }
0x101: {  	_ =	swait.ge [sflag:s10], $0x4000  }
0x102: {  	[sflag:s10] =	ssyncset.done $0x0  }
0x103: {  	[sflag:s10] =	ssyncadd.s32 $0xFFFFC000  }
0x104: {  	_ =	swait.ge [sflag:s10], $0x4000  }
0x105: {  	[sflag:s10] =	ssyncset.done $0x0  }
0x106: {  	[sflag:s10] =	ssyncadd.s32 $0xFFFFC000  }
0x107: {  	_ =	swait.ge [sflag:s11], $0x80  }
0x108: {  	[sflag:s11] =	ssyncset.done $0x0  }
0x109: {  	[sflag:s11] =	ssyncadd.s32 $0xFFFFFF80  }
0x10a: {  	_ =	swait.ge [sflag:s11], $0x80  }
0x10b: {  	[sflag:s11] =	ssyncset.done $0x0  }
0x10c: {  	[sflag:s11] =	ssyncadd.s32 $0xFFFFFF80  }
0x10d: {  	_ =	swait.ge [sflag:s12], $0x80  }
0x10e: {  	[sflag:s12] =	ssyncset.done $0x0  }
0x10f: {  	[sflag:s12] =	ssyncadd.s32 $0xFFFFFF80  }
0x110: {  	_ =	swait.ge [sflag:s12], $0x80  }
0x111: {  	[sflag:s12] =	ssyncset.done $0x0  }
0x112: {  	[sflag:s12] =	ssyncadd.s32 $0xFFFFFF80  }
0x113: {  	[tilespmem:s22], [sflag:$0x1] =	stream.indirect.gather [hbm4b:s5+s24], $0x80, s28, s24, $0xb8;
	[tilespmem:$0x1C400] =	vst v63  }
0x114: {  	_ = 	snop  }
0x115: {  	[tilespmem:s8], [sflag:$0x1] =	stream.indirect.gather [hbm4b:s5+s24], $0x80, s30, s24, $0xb8;
	[tilespmem:$0x1C400] =	vst v63  }
0x116: {  	_ =	swait.ge [sflag:s9], $0x4000  }
0x117: {  	[sflag:s9] =	ssyncset.done $0x0  }
0x118: {  	[sflag:s9] =	ssyncadd.s32 $0xFFFFC000  }
0x119: {  	_ =	swait.ge [sflag:s9], $0x4000  }
0x11a: {  	[sflag:s9] =	ssyncset.done $0x0  }
0x11b: {  	[sflag:s9] =	ssyncadd.s32 $0xFFFFC000  }
0x11c: {  	[spmem:s3] =	stream.indirect.scatter.add.f32 [tilespmem:s22], [sflag:$0x2], $0x80, s29, s24, $0xb8;
	[tilespmem:$0x1C400] =	vst v63  }
0x11d: {  	_ = 	snop  }
0x11e: {  	[spmem:s3] =	stream.indirect.scatter.add.f32 [tilespmem:s8], [sflag:$0x2], $0x80, s31, s24, $0xb8;
	[tilespmem:$0x1C400] =	vst v63  }
0x11f: {  	_ =	swait.ge [sflag:s10], $0x4000  }
0x120: {  	[sflag:s10] =	ssyncset.done $0x0  }
0x121: {  	[sflag:s10] =	ssyncadd.s32 $0xFFFFC000  }
0x122: {  	_ =	swait.ge [sflag:s10], $0x4000  }
0x123: {  	[sflag:s10] =	ssyncset.done $0x0  }
0x124: {  	s14 =	stileid.u32;
	[sflag:s10] =	ssyncadd.s32 $0xFFFFC000  }
0x125: {  	s14 =	sshll.u32 s14, $0x6;
	[bflag:$0x0] =	sbarrier.arrive $0xFFFF  }
0x126: {  	s20 =	sshrl.u32 s7, $0x3;
	s14 =	sor.u32 $0x1C07, s14;
	s16 =	rddreg [dreg:$0x11]  }
0x127: {  	[hbm:s16], [sflag:s14] =	dma.local [spmem:s20], $0x2800  }
0x128: {  	_ =	swait.ge [sflag:s23], $0x2800  }
0x129: {  	s13 =	sadd.s32 $0x1, s13;
	s21 =	rddreg [dreg:$0x12]  }
0x12a: {  	p0 =	sne.s32 s13, s21  }
.Ltmp2:
0x12b: {  	_ = 	snop;
	(pc) =	sbr.rel @p0 .LBB2_1-.Ltmp2, $3  }
0x12c: {  	_ =	sdelay $0x1  }
0x12d: {  	[sflag:s23] =	ssyncset.done $0x0  }
0x12e: {  	[sflag:s23] =	ssyncadd.s32 $0xFFFFD800  }
0x12f: {  	_ =	sfence.sel $0x180000  }
0x130: {  	[bflag:$0x0] =	sbarrier.arrive $0xFFFF  }
0x131: {  	_ =	strace $0x90000047  }
0x132: {  	s0 =	stileid.u32;
	[bflag:$0x2] =	sbarrier.arrive $0xFFFF  }
0x133: {  	p0 =	sne.s32 s0, $0x0;
	s0 =	rddreg [dreg:$0x3]  }
0x134: {  	s0 =	sadd.s32 @!p0 $0x100000, s0  }
0x135: {  	[sflag:s0] =	ssyncadd.tile.s32 @!p0 $0x1;
	_ =	shalt  }
.Lfunc_end2:
_tile_overlayer_lowered:
.L_overlay_start_2:
0x136: {  	(tag) =	ssettag $0x2  }
0x137: {  	s0 =	rddreg [dreg:$0x0];
	s2 =	stileid.u32  }
0x138: {  	s1 =	rddreg [dreg:$0x1];
	p0 =	sne.s32 s2, $0x0  }
0x139: {  	s3 =	rddreg [dreg:$0x2];
	[bflag:$0x3] =	sbarrier.arrive $0xFFFF;
	s2 =	simm.s32 @!p0 $0x1C07  }
0x13a: {  	[timem:s3], [sflag:s2] =	dma.local @!p0 [hbm:s0], s1  }
0x13b: {  	s0 =	simm.s32 @!p0 $0x7  }
0x13c: {  	_ =	swait.ge @!p0 [sflag:s0], s1  }
0x13d: {  	s1 =	ssub.s32 @!p0 $0x0, s1;
	[sflag:s0] =	ssyncset.done @!p0 $0x0  }
0x13e: {  	[sflag:s0] =	ssyncadd.s32 @!p0 s1  }
0x13f: {  	[bflag:$0x3] =	sbarrier.arrive $0xFFFF  }
0x140: {  	_ =	shalt  }

</sc_bundles>
